<compile_context>
chip_gen: v7x
topology: tpu7x:2x2x1
jax: 0.10.2.dev20260603
libtpu: 0.0.44.dev20260713+nightly
codegen_flags: <defaults>
</compile_context>

<pallas_src>
import functools

import jax
import jax.numpy as jnp
from jax import lax
from jax.experimental import pallas as pl
from jax.experimental.pallas import tpu as pltpu
from jax.experimental.pallas import tpu_sc as plsc

E = 64
D = 768
H = 128
N = 2048
BT = 128
G = 84
BG = 256
NBG = N // BG

SC_NW = 32
BPW = N // SC_NW


def _gating(x, w_gate):

    def body(x_ref, wg_ref, pos_ref, xs_ref, e_ref, a_ref, lo_ref, hi_ref,
             idx_s, carry, carry2):
        g = pl.program_id(0)

        @pl.when(g == 0)
        def _():
            carry[...] = jnp.zeros_like(carry)

        @pl.when(g < NBG)
        def _pass1():
            xv = x_ref[...]
            logits = jnp.dot(xv, wg_ref[...],
                             preferred_element_type=jnp.float32)
            m = jnp.max(logits, axis=1, keepdims=True)
            s = jnp.sum(jnp.exp(logits - m), axis=1, keepdims=True)
            iota_e = lax.broadcasted_iota(jnp.int32, (BG, E), 1)
            cand = jnp.where(logits == m, iota_e, E)
            idx = jnp.min(cand, axis=1)
            idx_s[pl.ds(g * BG, BG)] = idx.astype(jnp.int32)
            xs_ref[...] = xv * (1.0 / s)
            onehot = (idx[:, None] == iota_e).astype(jnp.float32)
            carry[...] += jnp.sum(onehot, axis=0, keepdims=True)

        @pl.when(g == NBG)
        def _schedule():
            counts = carry[...]
            rr = lax.broadcasted_iota(jnp.int32, (E, E), 0)
            cc = lax.broadcasted_iota(jnp.int32, (E, E), 1)
            triu = (rr < cc).astype(jnp.float32)
            off = jnp.dot(counts, triu, preferred_element_type=jnp.float32,
                          precision=jax.lax.Precision.HIGHEST)
            end = off + counts
            off_i = off.astype(jnp.int32)
            end_i = end.astype(jnp.int32)
            off_al = (off_i // 8) * 8
            nw = (end_i - off_al + (BT - 1)) // BT
            w_cum = jnp.dot(nw.astype(jnp.float32), triu,
                            preferred_element_type=jnp.float32,
                            precision=jax.lax.Precision.HIGHEST)
            w_cum = w_cum.astype(jnp.int32)
            g_col = lax.broadcasted_iota(jnp.int32, (G, 1), 0)
            e_g = jnp.sum((w_cum <= g_col).astype(jnp.int32),
                          axis=1, keepdims=True) - 1
            e_g = jnp.clip(e_g, 0, E - 1)
            iota_ge = lax.broadcasted_iota(jnp.int32, (G, E), 1)
            oh = (e_g == iota_ge)

            def sel(v):
                return jnp.sum(jnp.where(oh, v, 0), axis=1, keepdims=True)

            k_g = g_col - sel(w_cum)
            uaddr = sel(off_al) + k_g * BT
            e_ref[...] = e_g
            a_ref[...] = jnp.clip(uaddr, 0, N - BT)
            lo_ref[...] = jnp.maximum(sel(off_i), uaddr)
            hi_ref[...] = jnp.minimum(sel(end_i), uaddr + BT)
            carry2[...] = off

        @pl.when(g > NBG)
        def _pass2():
            b = g - NBG - 1
            idx = idx_s[pl.ds(b * BG, BG)]
            iota_e = lax.broadcasted_iota(jnp.int32, (BG, E), 1)
            onehot = (idx[:, None] == iota_e).astype(jnp.float32)
            r2 = lax.broadcasted_iota(jnp.int32, (BG, BG), 0)
            c2 = lax.broadcasted_iota(jnp.int32, (BG, BG), 1)
            tri = (r2 > c2).astype(jnp.float32)
            cnt_before = jnp.dot(tri, onehot,
                                 preferred_element_type=jnp.float32)
            pos = jnp.sum((cnt_before + carry2[...]) * onehot, axis=1)
            pos_ref[...] = pos.astype(jnp.int32)
            carry2[...] += jnp.sum(onehot, axis=0, keepdims=True)

    return pl.pallas_call(
        body,
        grid=(2 * NBG + 1,),
        in_specs=[
            pl.BlockSpec((BG, D), lambda g: (jnp.minimum(g, NBG - 1), 0)),
            pl.BlockSpec((D, E), lambda g: (0, 0)),
        ],
        out_specs=[
            pl.BlockSpec((BG,), lambda g: (jnp.clip(g - NBG - 1, 0, NBG - 1),)),
            pl.BlockSpec((BG, D), lambda g: (jnp.minimum(g, NBG - 1), 0)),
            pl.BlockSpec((G, 1), lambda g: (0, 0)),
            pl.BlockSpec((G, 1), lambda g: (0, 0)),
            pl.BlockSpec((G, 1), lambda g: (0, 0)),
            pl.BlockSpec((G, 1), lambda g: (0, 0)),
        ],
        out_shape=[
            jax.ShapeDtypeStruct((N,), jnp.int32),
            jax.ShapeDtypeStruct((N, D), jnp.float32),
            jax.ShapeDtypeStruct((G, 1), jnp.int32),
            jax.ShapeDtypeStruct((G, 1), jnp.int32),
            jax.ShapeDtypeStruct((G, 1), jnp.int32),
            jax.ShapeDtypeStruct((G, 1), jnp.int32),
        ],
        scratch_shapes=[
            pltpu.VMEM((N,), jnp.int32),
            pltpu.VMEM((1, E), jnp.float32),
            pltpu.VMEM((1, E), jnp.float32),
        ],
    )(x, w_gate)


def _sc_scatter(src, pos):
    mesh = plsc.VectorSubcoreMesh(core_axis_name="c", subcore_axis_name="s")

    @functools.partial(
        pl.kernel,
        mesh=mesh,
        out_type=jax.ShapeDtypeStruct((N, D), jnp.float32),
        scratch_types=[
            pltpu.VMEM((BPW,), jnp.int32),
            pltpu.VMEM((BPW, D), jnp.float32),
            pltpu.SemaphoreType.DMA,
        ],
    )
    def k(src_hbm, pos_hbm, out_hbm, pos_v, rows_v, sem):
        wid = lax.axis_index("s") * 2 + lax.axis_index("c")
        base = wid * BPW
        pltpu.sync_copy(pos_hbm.at[pl.ds(base, BPW)], pos_v)
        pltpu.sync_copy(src_hbm.at[pl.ds(base, BPW)], rows_v)
        pltpu.async_copy(rows_v, out_hbm.at[pos_v], sem).wait()

    return k(src, pos)


def _sc_gather(table, idx):
    mesh = plsc.VectorSubcoreMesh(core_axis_name="c", subcore_axis_name="s")

    @functools.partial(
        pl.kernel,
        mesh=mesh,
        out_type=jax.ShapeDtypeStruct((N, D), jnp.float32),
        scratch_types=[
            pltpu.VMEM((BPW,), jnp.int32),
            pltpu.VMEM((BPW, D), jnp.float32),
            pltpu.SemaphoreType.DMA,
        ],
    )
    def k(table_hbm, idx_hbm, out_hbm, idx_v, rows_v, sem):
        wid = lax.axis_index("s") * 2 + lax.axis_index("c")
        base = wid * BPW
        pltpu.sync_copy(idx_hbm.at[pl.ds(base, BPW)], idx_v)
        pltpu.async_copy(table_hbm.at[idx_v], rows_v, sem).wait()
        pltpu.sync_copy(rows_v, out_hbm.at[pl.ds(base, BPW)])

    return k(table, idx)


def _gmm(e_g, a_g, lo_g, hi_g, x_sorted, w1, w2):

    def body(e_ref, a_ref, lo_ref, hi_ref, x_ref, w1_ref, w2_ref, out_ref):
        g = pl.program_id(0)

        @pl.when(g == G + 1)
        def _():
            out_ref[...] = jnp.zeros_like(out_ref)

        addr = pl.multiple_of(a_ref[g, 0], 8)
        r = addr + lax.broadcasted_iota(jnp.int32, (BT, 1), 0)
        mask = jnp.logical_and(r >= lo_ref[g, 0], r < hi_ref[g, 0])
        xb = jnp.where(mask, x_ref[pl.ds(addr, BT), :], 0.0)
        h = jnp.dot(xb, w1_ref[0], preferred_element_type=jnp.float32)
        y = jnp.dot(h, w2_ref[0], preferred_element_type=jnp.float32)
        out_ref[pl.ds(addr, BT), :] += y

    grid_spec = pltpu.PrefetchScalarGridSpec(
        num_scalar_prefetch=4,
        grid=(G,),
        in_specs=[
            pl.BlockSpec((N, D), lambda g, e, a, l, h: (0, 0)),
            pl.BlockSpec((1, D, H), lambda g, e, a, l, h: (e[g, 0] * 0, 0, 0)),
            pl.BlockSpec((1, H, D), lambda g, e, a, l, h: (e[g, 0] * 0, 0, 0)),
        ],
        out_specs=pl.BlockSpec((N, D), lambda g, e, a, l, h: (0, 0)),
    )
    return pl.pallas_call(
        body,
        grid_spec=grid_spec,
        out_shape=jax.ShapeDtypeStruct((N, D), jnp.float32),
        compiler_params=pltpu.CompilerParams(
            dimension_semantics=("arbitrary",)
        ),
    )(e_g, a_g, lo_g, hi_g, x_sorted, w1, w2)


def kernel(x, w_gate, w1, w2):
    pos, x_scaled, e_g, a_g, lo_g, hi_g = _gating(x, w_gate)
    x_sorted = _sc_scatter(x_scaled, pos)
    y_sorted = _gmm(e_g, a_g, lo_g, hi_g, x_sorted, w1, w2)
    return _sc_gather(y_sorted, pos)

# --- scband reference (transcript-rebuilt; emitter-appended) ---
"""Pipeline reference for scband-multihead-attention-67860483277372 (READ-ONLY COPY).

The authoritative reference and input builder live on the scoring server;
editing this copy changes nothing except your own understanding.
"""

import jax, jax.numpy as jnp
import numpy as np

NUM_EXPERTS = 64
TOP_K = 1
D_MODEL = 768
HEAD_SIZE = 128
N_TOKENS = 2048


def setup_inputs(seed: int = 0) -> dict:
    key = jax.random.key(seed)
    k1, k2, k3, k4 = jax.random.split(key, 4)
    x = jax.random.normal(k1, (N_TOKENS, D_MODEL), dtype=jnp.float32)
    # gating weight: nn.init.normal_(w_gate, 0, 1/sqrt(input_size))
    w_gate = jax.random.normal(k2, (D_MODEL, NUM_EXPERTS), dtype=jnp.float32) * (1.0 / np.sqrt(D_MODEL))
    # ParallelExperts weights: per-expert normal(0, 1/sqrt(fan_in))
    w1 = jax.random.normal(k3, (NUM_EXPERTS, D_MODEL, HEAD_SIZE), dtype=jnp.float32) * (1.0 / np.sqrt(D_MODEL))
    w2 = jax.random.normal(k4, (NUM_EXPERTS, HEAD_SIZE, D_MODEL), dtype=jnp.float32) * (1.0 / np.sqrt(HEAD_SIZE))
    return {"x": x, "w_gate": w_gate, "w1": w1, "w2": w2}


def reference(x, w_gate, w1, w2):
    # --- gating (noisy_gating=False -> clean logits) ---
    n = x.shape[0]
    logits = x @ w_gate                      # [N, E]
    probs = jax.nn.softmax(logits, axis=-1)  # [N, E]
    top_gates, top_idx = jax.lax.top_k(probs, TOP_K)  # [N, k]
    # dense gate matrix: zeros except at the selected top-k experts
    gates = jnp.zeros_like(probs).at[jnp.arange(n)[:, None], top_idx].set(top_gates)  # [N, E]
    # --- expert computation (ParallelLinear grouped matmuls).
    # Mathematically identical to dispatch/split-by-expert: tokens with gate==0
    # contribute nothing to the combine.
    h = jnp.einsum('nd,edh->enh', x, w1)          # experts: input_size -> head_size
    # activation=None and single-layer ParallelExperts -> no nonlinearity
    y_e = jnp.einsum('enh,ehd->end', h, w2)       # output_experts: head_size -> input_size
    y = jnp.einsum('ne,end->nd', gates, y_e)      # gate-weighted combine (index_add in torch)
    return y

if __name__ == "__main__":
    import jax
    _d = setup_inputs()
    print(jax.jit(kernel)(*tuple(_d.values())))

</pallas_src>

<mosaic_0001>
#map = affine_map<(d0, d1) -> (0, 0)>
#map1 = affine_map<(d0, d1) -> (0)>
module attributes {stable_mosaic.version = 14 : i64} {
  func.func @k(%arg0: i32, %arg1: i32, %arg2: memref<2048x768xf32, #tpu.memory_space<hbm>>, %arg3: memref<2048xi32, #tpu.memory_space<hbm>>, %arg4: memref<2048x768xf32, #tpu.memory_space<hbm>>, %arg5: memref<64xi32, #tpu.memory_space<vmem>>, %arg6: memref<64x768xf32, #tpu.memory_space<vmem>>, %arg7: memref<!tpu.dma_semaphore, #tpu.memory_space<semaphore_mem>>) attributes {dimension_semantics = [#tpu.dimension_semantics<core_parallel>, #tpu.dimension_semantics<subcore_parallel>], iteration_bounds = array<i64: 2, 16>, scalar_prefetch = 0 : i64, scratch_operands = 3 : i64, tpu.core_type = #tpu.core_type<sc_vector_subcore>, window_params = [{transform_indices = #map}, {transform_indices = #map1}, {transform_indices = #map}]} {
    %mul3A = arith.constant 2 : i32
    %mul3A_0 = arith.muli %arg1, %mul3A : i32
    %add3A = arith.addi %mul3A_0, %arg0 : i32
    %mul3A_1 = arith.constant 64 : i32
    %mul3A_2 = arith.muli %add3A, %mul3A_1 : i32
    "tpu.region"() ({
      %run_scoped3A = tpu.sem_alloc : memref<!tpu.dma_semaphore, #tpu.memory_space<semaphore_mem>>
      %dma_start3A_7 = tpu.memref_slice %arg3[%mul3A_2] : memref<2048xi32, #tpu.memory_space<hbm>> -> memref<64xi32, #tpu.memory_space<hbm>>
      %dma_start3A_8 = tpu.memref_slice %arg3[%mul3A_2] : memref<2048xi32, #tpu.memory_space<hbm>> -> memref<64xi32, #tpu.memory_space<hbm>>
      tpu.enqueue_dma source(%dma_start3A_8 : memref<64xi32, #tpu.memory_space<hbm>>) target(%arg5 : memref<64xi32, #tpu.memory_space<vmem>>) target_semaphore(%run_scoped3A : memref<!tpu.dma_semaphore, #tpu.memory_space<semaphore_mem>>)
      %dma_wait3A_9 = tpu.memref_slice %arg3[%mul3A_2] : memref<2048xi32, #tpu.memory_space<hbm>> -> memref<64xi32, #tpu.memory_space<hbm>>
      %dma_wait3A_10 = tpu.memref_slice %arg3[%mul3A_2] : memref<2048xi32, #tpu.memory_space<hbm>> -> memref<64xi32, #tpu.memory_space<hbm>>
      tpu.wait_dma2 semaphore(%run_scoped3A : memref<!tpu.dma_semaphore, #tpu.memory_space<semaphore_mem>>) src(%dma_wait3A_10 : memref<64xi32, #tpu.memory_space<hbm>>) dst(%arg5 : memref<64xi32, #tpu.memory_space<vmem>>)
      tpu.yield
    }) : () -> ()
    "tpu.region"() ({
      %run_scoped3A = tpu.sem_alloc : memref<!tpu.dma_semaphore, #tpu.memory_space<semaphore_mem>>
      %dma_start3A_7 = arith.constant 0 : i32
      %dma_start3A_8 = tpu.memref_slice %arg2[%mul3A_2, %dma_start3A_7] : memref<2048x768xf32, #tpu.memory_space<hbm>> -> memref<64x768xf32, #tpu.memory_space<hbm>>
      %dma_start3A_9 = arith.constant 0 : i32
      %dma_start3A_10 = tpu.memref_slice %arg2[%mul3A_2, %dma_start3A_9] : memref<2048x768xf32, #tpu.memory_space<hbm>> -> memref<64x768xf32, #tpu.memory_space<hbm>>
      tpu.enqueue_dma source(%dma_start3A_10 : memref<64x768xf32, #tpu.memory_space<hbm>>) target(%arg6 : memref<64x768xf32, #tpu.memory_space<vmem>>) target_semaphore(%run_scoped3A : memref<!tpu.dma_semaphore, #tpu.memory_space<semaphore_mem>>)
      %dma_wait3A_11 = arith.constant 0 : i32
      %dma_wait3A_12 = tpu.memref_slice %arg2[%mul3A_2, %dma_wait3A_11] : memref<2048x768xf32, #tpu.memory_space<hbm>> -> memref<64x768xf32, #tpu.memory_space<hbm>>
      %dma_wait3A_13 = arith.constant 0 : i32
      %dma_wait3A_14 = tpu.memref_slice %arg2[%mul3A_2, %dma_wait3A_13] : memref<2048x768xf32, #tpu.memory_space<hbm>> -> memref<64x768xf32, #tpu.memory_space<hbm>>
      tpu.wait_dma2 semaphore(%run_scoped3A : memref<!tpu.dma_semaphore, #tpu.memory_space<semaphore_mem>>) src(%dma_wait3A_14 : memref<64x768xf32, #tpu.memory_space<hbm>>) dst(%arg6 : memref<64x768xf32, #tpu.memory_space<vmem>>)
      tpu.yield
    }) : () -> ()
    %dma_start3A = arith.constant 0 : i32
    %dma_start3A_3 = arith.constant 0 : i32
    %dma_start3A_4 = tpu.memref_slice %arg4[%dma_start3A, %dma_start3A_3] : memref<2048x768xf32, #tpu.memory_space<hbm>> -> memref<2048x768xf32, #tpu.memory_space<hbm>>
    tpu.enqueue_indirect_dma source(%arg6 : memref<64x768xf32, #tpu.memory_space<vmem>>) target(%dma_start3A_4 : memref<2048x768xf32, #tpu.memory_space<hbm>>) offsets(%arg5 : memref<64xi32, #tpu.memory_space<vmem>>) semaphore(%arg7 : memref<!tpu.dma_semaphore, #tpu.memory_space<semaphore_mem>>)
    %dma_wait3A = arith.constant 0 : i32
    %dma_wait3A_5 = arith.constant 0 : i32
    %dma_wait3A_6 = tpu.memref_slice %arg4[%dma_wait3A, %dma_wait3A_5] : memref<2048x768xf32, #tpu.memory_space<hbm>> -> memref<2048x768xf32, #tpu.memory_space<hbm>>
    tpu.wait_indirect_dma semaphore(%arg7 : memref<!tpu.dma_semaphore, #tpu.memory_space<semaphore_mem>>) src(%arg6 : memref<64x768xf32, #tpu.memory_space<vmem>>) dst(%dma_wait3A_6 : memref<2048x768xf32, #tpu.memory_space<hbm>>)
    return
  }
}

#map = affine_map<(d0, d1) -> (0, 0)>
#map1 = affine_map<(d0, d1) -> (0)>
module attributes {stable_mosaic.version = 14 : i64} {
  func.func @k(%arg0: i32, %arg1: i32, %arg2: memref<2048x768xf32, #tpu.memory_space<hbm>>, %arg3: memref<2048xi32, #tpu.memory_space<hbm>>, %arg4: memref<2048x768xf32, #tpu.memory_space<hbm>>, %arg5: memref<64xi32, #tpu.memory_space<vmem>>, %arg6: memref<64x768xf32, #tpu.memory_space<vmem>>, %arg7: memref<!tpu.dma_semaphore, #tpu.memory_space<semaphore_mem>>) attributes {dimension_semantics = [#tpu.dimension_semantics<core_parallel>, #tpu.dimension_semantics<subcore_parallel>], iteration_bounds = array<i64: 2, 16>, scalar_prefetch = 0 : i64, scratch_operands = 3 : i64, tpu.core_type = #tpu.core_type<sc_vector_subcore>, window_params = [{transform_indices = #map}, {transform_indices = #map1}, {transform_indices = #map}]} {
    %mul3A = arith.constant 2 : i32
    %mul3A_0 = arith.muli %arg1, %mul3A : i32
    %add3A = arith.addi %mul3A_0, %arg0 : i32
    %mul3A_1 = arith.constant 64 : i32
    %mul3A_2 = arith.muli %add3A, %mul3A_1 : i32
    "tpu.region"() ({
      %run_scoped3A = tpu.sem_alloc : memref<!tpu.dma_semaphore, #tpu.memory_space<semaphore_mem>>
      %dma_start3A_7 = tpu.memref_slice %arg3[%mul3A_2] : memref<2048xi32, #tpu.memory_space<hbm>> -> memref<64xi32, #tpu.memory_space<hbm>>
      %dma_start3A_8 = tpu.memref_slice %arg3[%mul3A_2] : memref<2048xi32, #tpu.memory_space<hbm>> -> memref<64xi32, #tpu.memory_space<hbm>>
      tpu.enqueue_dma source(%dma_start3A_8 : memref<64xi32, #tpu.memory_space<hbm>>) target(%arg5 : memref<64xi32, #tpu.memory_space<vmem>>) target_semaphore(%run_scoped3A : memref<!tpu.dma_semaphore, #tpu.memory_space<semaphore_mem>>)
      %dma_wait3A_9 = tpu.memref_slice %arg3[%mul3A_2] : memref<2048xi32, #tpu.memory_space<hbm>> -> memref<64xi32, #tpu.memory_space<hbm>>
      %dma_wait3A_10 = tpu.memref_slice %arg3[%mul3A_2] : memref<2048xi32, #tpu.memory_space<hbm>> -> memref<64xi32, #tpu.memory_space<hbm>>
      tpu.wait_dma2 semaphore(%run_scoped3A : memref<!tpu.dma_semaphore, #tpu.memory_space<semaphore_mem>>) src(%dma_wait3A_10 : memref<64xi32, #tpu.memory_space<hbm>>) dst(%arg5 : memref<64xi32, #tpu.memory_space<vmem>>)
      tpu.yield
    }) : () -> ()
    %dma_start3A = arith.constant 0 : i32
    %dma_start3A_3 = arith.constant 0 : i32
    %dma_start3A_4 = tpu.memref_slice %arg2[%dma_start3A, %dma_start3A_3] : memref<2048x768xf32, #tpu.memory_space<hbm>> -> memref<2048x768xf32, #tpu.memory_space<hbm>>
    tpu.enqueue_indirect_dma source(%dma_start3A_4 : memref<2048x768xf32, #tpu.memory_space<hbm>>) target(%arg6 : memref<64x768xf32, #tpu.memory_space<vmem>>) offsets(%arg5 : memref<64xi32, #tpu.memory_space<vmem>>) semaphore(%arg7 : memref<!tpu.dma_semaphore, #tpu.memory_space<semaphore_mem>>)
    %dma_wait3A = arith.constant 0 : i32
    %dma_wait3A_5 = arith.constant 0 : i32
    %dma_wait3A_6 = tpu.memref_slice %arg2[%dma_wait3A, %dma_wait3A_5] : memref<2048x768xf32, #tpu.memory_space<hbm>> -> memref<2048x768xf32, #tpu.memory_space<hbm>>
    tpu.wait_indirect_dma semaphore(%arg7 : memref<!tpu.dma_semaphore, #tpu.memory_space<semaphore_mem>>) src(%dma_wait3A_6 : memref<2048x768xf32, #tpu.memory_space<hbm>>) dst(%arg6 : memref<64x768xf32, #tpu.memory_space<vmem>>)
    "tpu.region"() ({
      %run_scoped3A = tpu.sem_alloc : memref<!tpu.dma_semaphore, #tpu.memory_space<semaphore_mem>>
      %dma_start3A_7 = arith.constant 0 : i32
      %dma_start3A_8 = tpu.memref_slice %arg4[%mul3A_2, %dma_start3A_7] : memref<2048x768xf32, #tpu.memory_space<hbm>> -> memref<64x768xf32, #tpu.memory_space<hbm>>
      %dma_start3A_9 = arith.constant 0 : i32
      %dma_start3A_10 = tpu.memref_slice %arg4[%mul3A_2, %dma_start3A_9] : memref<2048x768xf32, #tpu.memory_space<hbm>> -> memref<64x768xf32, #tpu.memory_space<hbm>>
      tpu.enqueue_dma source(%arg6 : memref<64x768xf32, #tpu.memory_space<vmem>>) target(%dma_start3A_10 : memref<64x768xf32, #tpu.memory_space<hbm>>) target_semaphore(%run_scoped3A : memref<!tpu.dma_semaphore, #tpu.memory_space<semaphore_mem>>)
      %dma_wait3A_11 = arith.constant 0 : i32
      %dma_wait3A_12 = tpu.memref_slice %arg4[%mul3A_2, %dma_wait3A_11] : memref<2048x768xf32, #tpu.memory_space<hbm>> -> memref<64x768xf32, #tpu.memory_space<hbm>>
      %dma_wait3A_13 = arith.constant 0 : i32
      %dma_wait3A_14 = tpu.memref_slice %arg4[%mul3A_2, %dma_wait3A_13] : memref<2048x768xf32, #tpu.memory_space<hbm>> -> memref<64x768xf32, #tpu.memory_space<hbm>>
      tpu.wait_dma2 semaphore(%run_scoped3A : memref<!tpu.dma_semaphore, #tpu.memory_space<semaphore_mem>>) src(%arg6 : memref<64x768xf32, #tpu.memory_space<vmem>>) dst(%dma_wait3A_14 : memref<64x768xf32, #tpu.memory_space<hbm>>)
      tpu.yield
    }) : () -> ()
    return
  }
}

module attributes {stable_mosaic.version = 14 : i64} {
  func.func @body(%arg0: i32, %arg1: memref<84x1xi32, #tpu.memory_space<smem>>, %arg2: memref<84x1xi32, #tpu.memory_space<smem>>, %arg3: memref<84x1xi32, #tpu.memory_space<smem>>, %arg4: memref<84x1xi32, #tpu.memory_space<smem>>, %arg5: memref<2048x768xf32, #tpu.memory_space<vmem>>, %arg6: memref<1x768x128xf32, #tpu.memory_space<vmem>>, %arg7: memref<1x128x768xf32, #tpu.memory_space<vmem>>, %arg8: memref<2048x768xf32, #tpu.memory_space<vmem>>) attributes {dimension_semantics = [#tpu.dimension_semantics<arbitrary>], iteration_bounds = array<i64: 84>, scalar_prefetch = 4 : i64, scratch_operands = 0 : i64, tpu.core_type = #tpu.core_type<tc>, window_params = [{pipeline_mode = #tpu.pipeline_mode<synchronous>, transform_indices = @transform_0, window_bounds = array<i64: 2048, 768>}, {transform_indices = @transform_1, window_bounds = array<i64: 1, 768, 128>}, {transform_indices = @transform_2, window_bounds = array<i64: 1, 128, 768>}, {pipeline_mode = #tpu.pipeline_mode<synchronous>, transform_indices = @transform_3, window_bounds = array<i64: 2048, 768>}]} {
    %eq3A = arith.constant 85 : i32
    %eq3A_0 = arith.cmpi eq, %arg0, %eq3A : i32
    %convert_element_type3A = arith.extui %eq3A_0 : i1 to i32
    %cond3A = arith.constant 0 : i32
    %cond3A_1 = arith.cmpi ne, %convert_element_type3A, %cond3A : i32
    scf.if %cond3A_1 {
      %broadcast_in_dim3A_37 = arith.constant 0.000000e+00 : f32
      %broadcast_in_dim3A_38 = vector.broadcast %broadcast_in_dim3A_37 : f32 to vector<2048x768xf32>
      %swap3A_39 = arith.constant 0 : index
      %swap3A_40 = arith.constant 0 : index
      %swap3A_41 = vector.load %arg8[%swap3A_39, %swap3A_40] : memref<2048x768xf32, #tpu.memory_space<vmem>>, vector<2048x768xf32>
      tpu.vector_store %arg8[%swap3A_39, %swap3A_40], %broadcast_in_dim3A_38 {strides = array<i32>} : memref<2048x768xf32, #tpu.memory_space<vmem>>, vector<2048x768xf32>,
    } else {
    }
    %get3A = arith.index_cast %arg0 : i32 to index
    %get3A_2 = arith.constant 0 : index
    %get3A_3 = memref.load %arg2[%get3A, %get3A_2] : memref<84x1xi32, #tpu.memory_space<smem>>
    %multiple_of3A = tpu.assume_multiple %get3A_3, 8 : i32
    %iota3A = tpu.iota {dimensions = array<i32: 0>} : vector<128x1xi32>
    %add3A = vector.broadcast %multiple_of3A : i32 to vector<128x1xi32>
    %add3A_4 = arith.addi %add3A, %iota3A : vector<128x1xi32>
    %get3A_5 = arith.index_cast %arg0 : i32 to index
    %get3A_6 = arith.constant 0 : index
    %get3A_7 = memref.load %arg3[%get3A_5, %get3A_6] : memref<84x1xi32, #tpu.memory_space<smem>>
    %ge3A = vector.broadcast %get3A_7 : i32 to vector<128x1xi32>
    %ge3A_8 = arith.cmpi sge, %add3A_4, %ge3A : vector<128x1xi32>
    %get3A_9 = arith.index_cast %arg0 : i32 to index
    %get3A_10 = arith.constant 0 : index
    %get3A_11 = memref.load %arg4[%get3A_9, %get3A_10] : memref<84x1xi32, #tpu.memory_space<smem>>
    %lt3A = vector.broadcast %get3A_11 : i32 to vector<128x1xi32>
    %lt3A_12 = arith.cmpi slt, %add3A_4, %lt3A : vector<128x1xi32>
    %and3A = arith.andi %ge3A_8, %lt3A_12 : vector<128x1xi1>
    %get3A_13 = arith.index_cast %multiple_of3A : i32 to index
    %get3A_14 = arith.constant 0 : index
    %get3A_15 = vector.load %arg5[%get3A_13, %get3A_14] : memref<2048x768xf32, #tpu.memory_space<vmem>>, vector<128x768xf32>
    %jit3A = arith.constant 0.000000e+00 : f32
    %broadcast_in_dim3A = vector.shape_cast %and3A : vector<128x1xi1> to vector<128x1xi1>
    %broadcast_in_dim3A_16 = vector.broadcast %broadcast_in_dim3A : vector<128x1xi1> to vector<128x768xi1>
    %broadcast_in_dim3A_17 = vector.broadcast %jit3A : f32 to vector<128x768xf32>
    %select_n3A = arith.select %broadcast_in_dim3A_16, %get3A_15, %broadcast_in_dim3A_17 : vector<128x768xi1>, vector<128x768xf32>
    %get3A_18 = arith.constant 0 : index
    %get3A_19 = arith.constant 0 : index
    %get3A_20 = arith.constant 0 : index
    %get3A_21 = vector.load %arg6[%get3A_18, %get3A_19, %get3A_20] : memref<1x768x128xf32, #tpu.memory_space<vmem>>, vector<1x768x128xf32>
    %get3A_22 = vector.shape_cast %get3A_21 : vector<1x768x128xf32> to vector<768x128xf32>
    %dot_general3A = arith.constant dense<0.000000e+00> : vector<128x128xf32>
    %dot_general3A_23 = tpu.matmul %select_n3A, %get3A_22, %dot_general3A {dimension_numbers = #tpu.dot_dimension_numbers<[1], [0], [0], [1], [0, 0, 1, 1], [], []>, transpose_lhs_hint = false} : vector<128x768xf32>, vector<768x128xf32>, vector<128x128xf32> -> vector<128x128xf32>
    %get3A_24 = arith.constant 0 : index
    %get3A_25 = arith.constant 0 : index
    %get3A_26 = arith.constant 0 : index
    %get3A_27 = vector.load %arg7[%get3A_24, %get3A_25, %get3A_26] : memref<1x128x768xf32, #tpu.memory_space<vmem>>, vector<1x128x768xf32>
    %get3A_28 = vector.shape_cast %get3A_27 : vector<1x128x768xf32> to vector<128x768xf32>
    %dot_general3A_29 = arith.constant dense<0.000000e+00> : vector<128x768xf32>
    %dot_general3A_30 = tpu.matmul %dot_general3A_23, %get3A_28, %dot_general3A_29 {dimension_numbers = #tpu.dot_dimension_numbers<[1], [0], [0], [1], [0, 0, 1, 1], [], []>, transpose_lhs_hint = false} : vector<128x128xf32>, vector<128x768xf32>, vector<128x768xf32> -> vector<128x768xf32>
    %get3A_31 = arith.index_cast %multiple_of3A : i32 to index
    %get3A_32 = arith.constant 0 : index
    %get3A_33 = vector.load %arg8[%get3A_31, %get3A_32] : memref<2048x768xf32, #tpu.memory_space<vmem>>, vector<128x768xf32>
    %add3A_34 = arith.addf %get3A_33, %dot_general3A_30 : vector<128x768xf32>
    %swap3A = arith.index_cast %multiple_of3A : i32 to index
    %swap3A_35 = arith.constant 0 : index
    %swap3A_36 = vector.load %arg8[%swap3A, %swap3A_35] : memref<2048x768xf32, #tpu.memory_space<vmem>>, vector<128x768xf32>
    tpu.vector_store %arg8[%swap3A, %swap3A_35], %add3A_34 {strides = array<i32>} : memref<2048x768xf32, #tpu.memory_space<vmem>>, vector<128x768xf32>,
    return
  }
  func.func @transform_0(%arg0: i32, %arg1: memref<84x1xi32, #tpu.memory_space<smem>>, %arg2: memref<84x1xi32, #tpu.memory_space<smem>>, %arg3: memref<84x1xi32, #tpu.memory_space<smem>>, %arg4: memref<84x1xi32, #tpu.memory_space<smem>>) -> (i32, i32) {
    %c0_i32 = arith.constant 0 : i32
    %c0_i32_0 = arith.constant 0 : i32
    %c0_i32_1 = arith.constant 0 : i32
    return %c0_i32, %c0_i32_0 : i32, i32
  }
  func.func @transform_1(%arg0: i32, %arg1: memref<84x1xi32, #tpu.memory_space<smem>>, %arg2: memref<84x1xi32, #tpu.memory_space<smem>>, %arg3: memref<84x1xi32, #tpu.memory_space<smem>>, %arg4: memref<84x1xi32, #tpu.memory_space<smem>>) -> (i32, i32, i32) {
    %get3A = arith.index_cast %arg0 : i32 to index
    %get3A_0 = arith.constant 0 : index
    %get3A_1 = memref.load %arg1[%get3A, %get3A_0] : memref<84x1xi32, #tpu.memory_space<smem>>
    %mul3A = arith.constant 0 : i32
    %mul3A_2 = arith.muli %get3A_1, %mul3A : i32
    %c0_i32 = arith.constant 0 : i32
    %c0_i32_3 = arith.constant 0 : i32
    %c0_i32_4 = arith.constant 0 : i32
    return %mul3A_2, %c0_i32, %c0_i32_3 : i32, i32, i32
  }
  func.func @transform_2(%arg0: i32, %arg1: memref<84x1xi32, #tpu.memory_space<smem>>, %arg2: memref<84x1xi32, #tpu.memory_space<smem>>, %arg3: memref<84x1xi32, #tpu.memory_space<smem>>, %arg4: memref<84x1xi32, #tpu.memory_space<smem>>) -> (i32, i32, i32) {
    %get3A = arith.index_cast %arg0 : i32 to index
    %get3A_0 = arith.constant 0 : index
    %get3A_1 = memref.load %arg1[%get3A, %get3A_0] : memref<84x1xi32, #tpu.memory_space<smem>>
    %mul3A = arith.constant 0 : i32
    %mul3A_2 = arith.muli %get3A_1, %mul3A : i32
    %c0_i32 = arith.constant 0 : i32
    %c0_i32_3 = arith.constant 0 : i32
    %c0_i32_4 = arith.constant 0 : i32
    return %mul3A_2, %c0_i32, %c0_i32_3 : i32, i32, i32
  }
  func.func @transform_3(%arg0: i32, %arg1: memref<84x1xi32, #tpu.memory_space<smem>>, %arg2: memref<84x1xi32, #tpu.memory_space<smem>>, %arg3: memref<84x1xi32, #tpu.memory_space<smem>>, %arg4: memref<84x1xi32, #tpu.memory_space<smem>>) -> (i32, i32) {
    %c0_i32 = arith.constant 0 : i32
    %c0_i32_0 = arith.constant 0 : i32
    %c0_i32_1 = arith.constant 0 : i32
    return %c0_i32, %c0_i32_0 : i32, i32
  }
}

module attributes {stable_mosaic.version = 14 : i64} {
  func.func @body(%arg0: i32, %arg1: memref<256x768xf32, #tpu.memory_space<vmem>>, %arg2: memref<768x64xf32, #tpu.memory_space<vmem>>, %arg3: memref<256xi32, #tpu.memory_space<vmem>>, %arg4: memref<256x768xf32, #tpu.memory_space<vmem>>, %arg5: memref<84x1xi32, #tpu.memory_space<vmem>>, %arg6: memref<84x1xi32, #tpu.memory_space<vmem>>, %arg7: memref<84x1xi32, #tpu.memory_space<vmem>>, %arg8: memref<84x1xi32, #tpu.memory_space<vmem>>, %arg9: memref<2048xi32, #tpu.memory_space<vmem>>, %arg10: memref<1x64xf32, #tpu.memory_space<vmem>>, %arg11: memref<1x64xf32, #tpu.memory_space<vmem>>) attributes {dimension_semantics = [#tpu.dimension_semantics<arbitrary>], iteration_bounds = array<i64: 17>, scalar_prefetch = 0 : i64, scratch_operands = 3 : i64, tpu.core_type = #tpu.core_type<tc>, window_params = [{transform_indices = @transform_0, window_bounds = array<i64: 256, 768>}, {pipeline_mode = #tpu.pipeline_mode<synchronous>, transform_indices = @transform_1, window_bounds = array<i64: 768, 64>}, {transform_indices = @transform_2, window_bounds = array<i64: 256>}, {transform_indices = @transform_3, window_bounds = array<i64: 256, 768>}, {pipeline_mode = #tpu.pipeline_mode<synchronous>, transform_indices = @transform_4, window_bounds = array<i64: 84, 1>}, {pipeline_mode = #tpu.pipeline_mode<synchronous>, transform_indices = @transform_5, window_bounds = array<i64: 84, 1>}, {pipeline_mode = #tpu.pipeline_mode<synchronous>, transform_indices = @transform_6, window_bounds = array<i64: 84, 1>}, {pipeline_mode = #tpu.pipeline_mode<synchronous>, transform_indices = @transform_7, window_bounds = array<i64: 84, 1>}]} {
    %eq3A = arith.constant 0 : i32
    %eq3A_0 = arith.cmpi eq, %arg0, %eq3A : i32
    %convert_element_type3A = arith.extui %eq3A_0 : i1 to i32
    %cond3A = arith.constant 0 : i32
    %cond3A_1 = arith.cmpi ne, %convert_element_type3A, %cond3A : i32
    scf.if %cond3A_1 {
      %broadcast_in_dim3A = arith.constant 0.000000e+00 : f32
      %broadcast_in_dim3A_15 = vector.broadcast %broadcast_in_dim3A : f32 to vector<1x64xf32>
      %swap3A = arith.constant 0 : index
      %swap3A_16 = arith.constant 0 : index
      %swap3A_17 = vector.load %arg10[%swap3A, %swap3A_16] : memref<1x64xf32, #tpu.memory_space<vmem>>, vector<1x64xf32>
      tpu.vector_store %arg10[%swap3A, %swap3A_16], %broadcast_in_dim3A_15 {strides = array<i32>} : memref<1x64xf32, #tpu.memory_space<vmem>>, vector<1x64xf32>,
    } else {
    }
    %lt3A = arith.constant 8 : i32
    %lt3A_2 = arith.cmpi slt, %arg0, %lt3A : i32
    %convert_element_type3A_3 = arith.extui %lt3A_2 : i1 to i32
    %cond3A_4 = arith.constant 0 : i32
    %cond3A_5 = arith.cmpi ne, %convert_element_type3A_3, %cond3A_4 : i32
    scf.if %cond3A_5 {
      %get3A = arith.constant 0 : index
      %get3A_15 = arith.constant 0 : index
      %get3A_16 = vector.load %arg1[%get3A, %get3A_15] : memref<256x768xf32, #tpu.memory_space<vmem>>, vector<256x768xf32>
      %get3A_17 = arith.constant 0 : index
      %get3A_18 = arith.constant 0 : index
      %get3A_19 = vector.load %arg2[%get3A_17, %get3A_18] : memref<768x64xf32, #tpu.memory_space<vmem>>, vector<768x64xf32>
      %dot_general3A = arith.constant dense<0.000000e+00> : vector<256x64xf32>
      %dot_general3A_20 = tpu.matmul %get3A_16, %get3A_19, %dot_general3A {dimension_numbers = #tpu.dot_dimension_numbers<[1], [0], [0], [1], [0, 0, 1, 1], [], []>, transpose_lhs_hint = false} : vector<256x768xf32>, vector<768x64xf32>, vector<256x64xf32> -> vector<256x64xf32>
      %reduce_max3A = arith.constant dense<0xFF800000> : vector<256xf32>
      %reduce_max3A_21 = vector.multi_reduction <maximumf>, %dot_general3A_20, %reduce_max3A [1] : vector<256x64xf32> to vector<256xf32>
      %broadcast_in_dim3A = vector.shape_cast %reduce_max3A_21 : vector<256xf32> to vector<256x1xf32>
      %sub3A = vector.broadcast %broadcast_in_dim3A : vector<256x1xf32> to vector<256x64xf32>
      %sub3A_22 = arith.subf %dot_general3A_20, %sub3A : vector<256x64xf32>
      %exp3A = math.exp %sub3A_22 : vector<256x64xf32>
      %reduce_sum3A = arith.constant dense<0.000000e+00> : vector<256xf32>
      %reduce_sum3A_23 = vector.multi_reduction <add>, %exp3A, %reduce_sum3A [1] : vector<256x64xf32> to vector<256xf32>
      %broadcast_in_dim3A_24 = vector.shape_cast %reduce_sum3A_23 : vector<256xf32> to vector<256x1xf32>
      %iota3A = tpu.iota {dimensions = array<i32: 1>} : vector<256x64xi32>
      %eq3A_25 = vector.broadcast %broadcast_in_dim3A : vector<256x1xf32> to vector<256x64xf32>
      %eq3A_26 = arith.cmpf oeq, %dot_general3A_20, %eq3A_25 : vector<256x64xf32>
      %jit3A = arith.constant 64 : i32
      %broadcast_in_dim3A_27 = vector.broadcast %jit3A : i32 to vector<256x64xi32>
      %select_n3A = arith.select %eq3A_26, %iota3A, %broadcast_in_dim3A_27 : vector<256x64xi1>, vector<256x64xi32>
      %reduce_min3A = arith.constant dense<2147483647> : vector<256xi32>
      %reduce_min3A_28 = vector.multi_reduction <minsi>, %select_n3A, %reduce_min3A [1] : vector<256x64xi32> to vector<256xi32>
      %mul3A = arith.constant 256 : i32
      %mul3A_29 = arith.muli %arg0, %mul3A : i32
      %swap3A = arith.index_cast %mul3A_29 : i32 to index
      %swap3A_30 = vector.load %arg9[%swap3A] : memref<2048xi32, #tpu.memory_space<vmem>>, vector<256xi32>
      tpu.vector_store %arg9[%swap3A], %reduce_min3A_28 {strides = array<i32>} : memref<2048xi32, #tpu.memory_space<vmem>>, vector<256xi32>,
      %div3A = arith.constant 1.000000e+00 : f32
      %div3A_31 = vector.broadcast %div3A : f32 to vector<256x1xf32>
      %div3A_32 = arith.divf %div3A_31, %broadcast_in_dim3A_24 : vector<256x1xf32>
      %mul3A_33 = vector.broadcast %div3A_32 : vector<256x1xf32> to vector<256x768xf32>
      %mul3A_34 = arith.mulf %get3A_16, %mul3A_33 : vector<256x768xf32>
      %swap3A_35 = arith.constant 0 : index
      %swap3A_36 = arith.constant 0 : index
      %swap3A_37 = vector.load %arg4[%swap3A_35, %swap3A_36] : memref<256x768xf32, #tpu.memory_space<vmem>>, vector<256x768xf32>
      tpu.vector_store %arg4[%swap3A_35, %swap3A_36], %mul3A_34 {strides = array<i32>} : memref<256x768xf32, #tpu.memory_space<vmem>>, vector<256x768xf32>,
      %broadcast_in_dim3A_38 = vector.shape_cast %reduce_min3A_28 : vector<256xi32> to vector<256x1xi32>
      %eq3A_39 = vector.broadcast %broadcast_in_dim3A_38 : vector<256x1xi32> to vector<256x64xi32>
      %eq3A_40 = arith.cmpi eq, %eq3A_39, %iota3A : vector<256x64xi32>
      %convert_element_type3A_41 = arith.extui %eq3A_40 : vector<256x64xi1> to vector<256x64xi32>
      %convert_element_type3A_42 = arith.sitofp %convert_element_type3A_41 : vector<256x64xi32> to vector<256x64xf32>
      %get3A_43 = arith.constant 0 : index
      %get3A_44 = arith.constant 0 : index
      %get3A_45 = vector.load %arg10[%get3A_43, %get3A_44] : memref<1x64xf32, #tpu.memory_space<vmem>>, vector<1x64xf32>
      %reduce_sum3A_46 = arith.constant dense<0.000000e+00> : vector<64xf32>
      %reduce_sum3A_47 = vector.multi_reduction <add>, %convert_element_type3A_42, %reduce_sum3A_46 [0] : vector<256x64xf32> to vector<64xf32>
      %broadcast_in_dim3A_48 = vector.shape_cast %reduce_sum3A_47 : vector<64xf32> to vector<1x64xf32>
      %add3A = arith.addf %get3A_45, %broadcast_in_dim3A_48 : vector<1x64xf32>
      %swap3A_49 = arith.constant 0 : index
      %swap3A_50 = arith.constant 0 : index
      %swap3A_51 = vector.load %arg10[%swap3A_49, %swap3A_50] : memref<1x64xf32, #tpu.memory_space<vmem>>, vector<1x64xf32>
      tpu.vector_store %arg10[%swap3A_49, %swap3A_50], %add3A {strides = array<i32>} : memref<1x64xf32, #tpu.memory_space<vmem>>, vector<1x64xf32>,
    } else {
    }
    %eq3A_6 = arith.constant 8 : i32
    %eq3A_7 = arith.cmpi eq, %arg0, %eq3A_6 : i32
    %convert_element_type3A_8 = arith.extui %eq3A_7 : i1 to i32
    %cond3A_9 = arith.constant 0 : i32
    %cond3A_10 = arith.cmpi ne, %convert_element_type3A_8, %cond3A_9 : i32
    scf.if %cond3A_10 {
      %get3A = arith.constant 0 : index
      %get3A_15 = arith.constant 0 : index
      %get3A_16 = vector.load %arg10[%get3A, %get3A_15] : memref<1x64xf32, #tpu.memory_space<vmem>>, vector<1x64xf32>
      %iota3A = tpu.iota {dimensions = array<i32: 0>} : vector<64x64xi32>
      %iota3A_17 = tpu.iota {dimensions = array<i32: 1>} : vector<64x64xi32>
      %lt3A_18 = arith.cmpi slt, %iota3A, %iota3A_17 : vector<64x64xi32>
      %convert_element_type3A_19 = arith.extui %lt3A_18 : vector<64x64xi1> to vector<64x64xi32>
      %convert_element_type3A_20 = arith.sitofp %convert_element_type3A_19 : vector<64x64xi32> to vector<64x64xf32>
      %dot_general3A = arith.constant dense<0.000000e+00> : vector<1x64xf32>
      %dot_general3A_21 = tpu.matmul %get3A_16, %convert_element_type3A_20, %dot_general3A {dimension_numbers = #tpu.dot_dimension_numbers<[1], [0], [0], [1], [0, 0, 1, 1], [], []>, precision = #tpu.contract_precision<fp32>, transpose_lhs_hint = false} : vector<1x64xf32>, vector<64x64xf32>, vector<1x64xf32> -> vector<1x64xf32>
      %add3A = arith.addf %dot_general3A_21, %get3A_16 : vector<1x64xf32>
      %convert_element_type3A_22 = arith.fptosi %dot_general3A_21 : vector<1x64xf32> to vector<1x64xi32>
      %convert_element_type3A_23 = arith.fptosi %add3A : vector<1x64xf32> to vector<1x64xi32>
      %jit3A = arith.constant 8 : i32
      %div3A = vector.broadcast %jit3A : i32 to vector<1x64xi32>
      %div3A_24 = arith.divsi %convert_element_type3A_22, %div3A : vector<1x64xi32>
      %sign3A = arith.constant 0 : i32
      %sign3A_25 = vector.broadcast %sign3A : i32 to vector<1x64xi32>
      %sign3A_26 = arith.cmpi sgt, %convert_element_type3A_22, %sign3A_25 : vector<1x64xi32>
      %sign3A_27 = arith.extui %sign3A_26 : vector<1x64xi1> to vector<1x64xi32>
      %sign3A_28 = arith.constant 0 : i32
      %sign3A_29 = vector.broadcast %sign3A_28 : i32 to vector<1x64xi32>
      %sign3A_30 = arith.cmpi slt, %convert_element_type3A_22, %sign3A_29 : vector<1x64xi32>
      %sign3A_31 = arith.extui %sign3A_30 : vector<1x64xi1> to vector<1x64xi32>
      %sign3A_32 = arith.subi %sign3A_27, %sign3A_31 : vector<1x64xi32>
      %sign3A_33 = arith.constant 0 : i32
      %sign3A_34 = arith.cmpi sgt, %jit3A, %sign3A_33 : i32
      %sign3A_35 = arith.extui %sign3A_34 : i1 to i32
      %sign3A_36 = arith.constant 0 : i32
      %sign3A_37 = arith.cmpi slt, %jit3A, %sign3A_36 : i32
      %sign3A_38 = arith.extui %sign3A_37 : i1 to i32
      %sign3A_39 = arith.subi %sign3A_35, %sign3A_38 : i32
      %ne3A = vector.broadcast %sign3A_39 : i32 to vector<1x64xi32>
      %ne3A_40 = arith.cmpi ne, %sign3A_32, %ne3A : vector<1x64xi32>
      %rem3A = vector.broadcast %jit3A : i32 to vector<1x64xi32>
      %rem3A_41 = arith.remsi %convert_element_type3A_22, %rem3A : vector<1x64xi32>
      %ne3A_42 = arith.constant 0 : i32
      %ne3A_43 = vector.broadcast %ne3A_42 : i32 to vector<1x64xi32>
      %ne3A_44 = arith.cmpi ne, %rem3A_41, %ne3A_43 : vector<1x64xi32>
      %and3A = arith.andi %ne3A_40, %ne3A_44 : vector<1x64xi1>
      %sub3A = arith.constant 1 : i32
      %sub3A_45 = vector.broadcast %sub3A : i32 to vector<1x64xi32>
      %sub3A_46 = arith.subi %div3A_24, %sub3A_45 : vector<1x64xi32>
      %select_n3A = arith.select %and3A, %sub3A_46, %div3A_24 : vector<1x64xi1>, vector<1x64xi32>
      %mul3A = arith.constant 8 : i32
      %mul3A_47 = vector.broadcast %mul3A : i32 to vector<1x64xi32>
      %mul3A_48 = arith.muli %select_n3A, %mul3A_47 : vector<1x64xi32>
      %sub3A_49 = arith.subi %convert_element_type3A_23, %mul3A_48 : vector<1x64xi32>
      %add3A_50 = arith.constant 127 : i32
      %add3A_51 = vector.broadcast %add3A_50 : i32 to vector<1x64xi32>
      %add3A_52 = arith.addi %sub3A_49, %add3A_51 : vector<1x64xi32>
      %jit3A_53 = arith.constant 128 : i32
      %div3A_54 = vector.broadcast %jit3A_53 : i32 to vector<1x64xi32>
      %div3A_55 = arith.divsi %add3A_52, %div3A_54 : vector<1x64xi32>
      %sign3A_56 = arith.constant 0 : i32
      %sign3A_57 = vector.broadcast %sign3A_56 : i32 to vector<1x64xi32>
      %sign3A_58 = arith.cmpi sgt, %add3A_52, %sign3A_57 : vector<1x64xi32>
      %sign3A_59 = arith.extui %sign3A_58 : vector<1x64xi1> to vector<1x64xi32>
      %sign3A_60 = arith.constant 0 : i32
      %sign3A_61 = vector.broadcast %sign3A_60 : i32 to vector<1x64xi32>
      %sign3A_62 = arith.cmpi slt, %add3A_52, %sign3A_61 : vector<1x64xi32>
      %sign3A_63 = arith.extui %sign3A_62 : vector<1x64xi1> to vector<1x64xi32>
      %sign3A_64 = arith.subi %sign3A_59, %sign3A_63 : vector<1x64xi32>
      %sign3A_65 = arith.constant 0 : i32
      %sign3A_66 = arith.cmpi sgt, %jit3A_53, %sign3A_65 : i32
      %sign3A_67 = arith.extui %sign3A_66 : i1 to i32
      %sign3A_68 = arith.constant 0 : i32
      %sign3A_69 = arith.cmpi slt, %jit3A_53, %sign3A_68 : i32
      %sign3A_70 = arith.extui %sign3A_69 : i1 to i32
      %sign3A_71 = arith.subi %sign3A_67, %sign3A_70 : i32
      %ne3A_72 = vector.broadcast %sign3A_71 : i32 to vector<1x64xi32>
      %ne3A_73 = arith.cmpi ne, %sign3A_64, %ne3A_72 : vector<1x64xi32>
      %rem3A_74 = vector.broadcast %jit3A_53 : i32 to vector<1x64xi32>
      %rem3A_75 = arith.remsi %add3A_52, %rem3A_74 : vector<1x64xi32>
      %ne3A_76 = arith.constant 0 : i32
      %ne3A_77 = vector.broadcast %ne3A_76 : i32 to vector<1x64xi32>
      %ne3A_78 = arith.cmpi ne, %rem3A_75, %ne3A_77 : vector<1x64xi32>
      %and3A_79 = arith.andi %ne3A_73, %ne3A_78 : vector<1x64xi1>
      %sub3A_80 = arith.constant 1 : i32
      %sub3A_81 = vector.broadcast %sub3A_80 : i32 to vector<1x64xi32>
      %sub3A_82 = arith.subi %div3A_55, %sub3A_81 : vector<1x64xi32>
      %select_n3A_83 = arith.select %and3A_79, %sub3A_82, %div3A_55 : vector<1x64xi1>, vector<1x64xi32>
      %convert_element_type3A_84 = arith.sitofp %select_n3A_83 : vector<1x64xi32> to vector<1x64xf32>
      %dot_general3A_85 = arith.constant dense<0.000000e+00> : vector<1x64xf32>
      %dot_general3A_86 = tpu.matmul %convert_element_type3A_84, %convert_element_type3A_20, %dot_general3A_85 {dimension_numbers = #tpu.dot_dimension_numbers<[1], [0], [0], [1], [0, 0, 1, 1], [], []>, precision = #tpu.contract_precision<fp32>, transpose_lhs_hint = false} : vector<1x64xf32>, vector<64x64xf32>, vector<1x64xf32> -> vector<1x64xf32>
      %convert_element_type3A_87 = arith.fptosi %dot_general3A_86 : vector<1x64xf32> to vector<1x64xi32>
      %iota3A_88 = tpu.iota {dimensions = array<i32: 0>} : vector<84x1xi32>
      %le3A = vector.broadcast %convert_element_type3A_87 : vector<1x64xi32> to vector<84x64xi32>
      %le3A_89 = vector.broadcast %iota3A_88 : vector<84x1xi32> to vector<84x64xi32>
      %le3A_90 = arith.cmpi sle, %le3A, %le3A_89 : vector<84x64xi32>
      %convert_element_type3A_91 = arith.extui %le3A_90 : vector<84x64xi1> to vector<84x64xi32>
      %reduce_sum3A = arith.constant dense<0> : vector<84xi32>
      %reduce_sum3A_92 = vector.multi_reduction <add>, %convert_element_type3A_91, %reduce_sum3A [1] : vector<84x64xi32> to vector<84xi32>
      %broadcast_in_dim3A = vector.shape_cast %reduce_sum3A_92 : vector<84xi32> to vector<84x1xi32>
      %sub3A_93 = arith.constant 1 : i32
      %sub3A_94 = vector.broadcast %sub3A_93 : i32 to vector<84x1xi32>
      %sub3A_95 = arith.subi %broadcast_in_dim3A, %sub3A_94 : vector<84x1xi32>
      %jit3A_96 = arith.constant 0 : i32
      %jit3A_97 = arith.constant 63 : i32
      %max3A = vector.broadcast %jit3A_96 : i32 to vector<84x1xi32>
      %max3A_98 = arith.maxsi %max3A, %sub3A_95 : vector<84x1xi32>
      %min3A = vector.broadcast %jit3A_97 : i32 to vector<84x1xi32>
      %min3A_99 = arith.minsi %min3A, %max3A_98 : vector<84x1xi32>
      %iota3A_100 = tpu.iota {dimensions = array<i32: 1>} : vector<84x64xi32>
      %eq3A_101 = vector.broadcast %min3A_99 : vector<84x1xi32> to vector<84x64xi32>
      %eq3A_102 = arith.cmpi eq, %eq3A_101, %iota3A_100 : vector<84x64xi32>
      %jit3A_103 = arith.constant 0 : i32
      %broadcast_in_dim3A_104 = vector.shape_cast %convert_element_type3A_87 : vector<1x64xi32> to vector<1x64xi32>
      %broadcast_in_dim3A_105 = vector.broadcast %broadcast_in_dim3A_104 : vector<1x64xi32> to vector<84x64xi32>
      %broadcast_in_dim3A_106 = vector.broadcast %jit3A_103 : i32 to vector<84x64xi32>
      %select_n3A_107 = arith.select %eq3A_102, %broadcast_in_dim3A_105, %broadcast_in_dim3A_106 : vector<84x64xi1>, vector<84x64xi32>
      %reduce_sum3A_108 = arith.constant dense<0> : vector<84xi32>
      %reduce_sum3A_109 = vector.multi_reduction <add>, %select_n3A_107, %reduce_sum3A_108 [1] : vector<84x64xi32> to vector<84xi32>
      %broadcast_in_dim3A_110 = vector.shape_cast %reduce_sum3A_109 : vector<84xi32> to vector<84x1xi32>
      %sub3A_111 = arith.subi %iota3A_88, %broadcast_in_dim3A_110 : vector<84x1xi32>
      %jit3A_112 = arith.constant 0 : i32
      %broadcast_in_dim3A_113 = vector.shape_cast %mul3A_48 : vector<1x64xi32> to vector<1x64xi32>
      %broadcast_in_dim3A_114 = vector.broadcast %broadcast_in_dim3A_113 : vector<1x64xi32> to vector<84x64xi32>
      %broadcast_in_dim3A_115 = vector.broadcast %jit3A_112 : i32 to vector<84x64xi32>
      %select_n3A_116 = arith.select %eq3A_102, %broadcast_in_dim3A_114, %broadcast_in_dim3A_115 : vector<84x64xi1>, vector<84x64xi32>
      %reduce_sum3A_117 = arith.constant dense<0> : vector<84xi32>
      %reduce_sum3A_118 = vector.multi_reduction <add>, %select_n3A_116, %reduce_sum3A_117 [1] : vector<84x64xi32> to vector<84xi32>
      %broadcast_in_dim3A_119 = vector.shape_cast %reduce_sum3A_118 : vector<84xi32> to vector<84x1xi32>
      %mul3A_120 = arith.constant 128 : i32
      %mul3A_121 = vector.broadcast %mul3A_120 : i32 to vector<84x1xi32>
      %mul3A_122 = arith.muli %sub3A_111, %mul3A_121 : vector<84x1xi32>
      %add3A_123 = arith.addi %broadcast_in_dim3A_119, %mul3A_122 : vector<84x1xi32>
      %swap3A = arith.constant 0 : index
      %swap3A_124 = arith.constant 0 : index
      %swap3A_125 = vector.load %arg5[%swap3A, %swap3A_124] : memref<84x1xi32, #tpu.memory_space<vmem>>, vector<84x1xi32>
      tpu.vector_store %arg5[%swap3A, %swap3A_124], %min3A_99 {strides = array<i32>} : memref<84x1xi32, #tpu.memory_space<vmem>>, vector<84x1xi32>,
      %jit3A_126 = arith.constant 0 : i32
      %jit3A_127 = arith.constant 1920 : i32
      %max3A_128 = vector.broadcast %jit3A_126 : i32 to vector<84x1xi32>
      %max3A_129 = arith.maxsi %max3A_128, %add3A_123 : vector<84x1xi32>
      %min3A_130 = vector.broadcast %jit3A_127 : i32 to vector<84x1xi32>
      %min3A_131 = arith.minsi %min3A_130, %max3A_129 : vector<84x1xi32>
      %swap3A_132 = arith.constant 0 : index
      %swap3A_133 = arith.constant 0 : index
      %swap3A_134 = vector.load %arg6[%swap3A_132, %swap3A_133] : memref<84x1xi32, #tpu.memory_space<vmem>>, vector<84x1xi32>
      tpu.vector_store %arg6[%swap3A_132, %swap3A_133], %min3A_131 {strides = array<i32>} : memref<84x1xi32, #tpu.memory_space<vmem>>, vector<84x1xi32>,
      %jit3A_135 = arith.constant 0 : i32
      %broadcast_in_dim3A_136 = vector.shape_cast %convert_element_type3A_22 : vector<1x64xi32> to vector<1x64xi32>
      %broadcast_in_dim3A_137 = vector.broadcast %broadcast_in_dim3A_136 : vector<1x64xi32> to vector<84x64xi32>
      %broadcast_in_dim3A_138 = vector.broadcast %jit3A_135 : i32 to vector<84x64xi32>
      %select_n3A_139 = arith.select %eq3A_102, %broadcast_in_dim3A_137, %broadcast_in_dim3A_138 : vector<84x64xi1>, vector<84x64xi32>
      %reduce_sum3A_140 = arith.constant dense<0> : vector<84xi32>
      %reduce_sum3A_141 = vector.multi_reduction <add>, %select_n3A_139, %reduce_sum3A_140 [1] : vector<84x64xi32> to vector<84xi32>
      %broadcast_in_dim3A_142 = vector.shape_cast %reduce_sum3A_141 : vector<84xi32> to vector<84x1xi32>
      %max3A_143 = arith.maxsi %broadcast_in_dim3A_142, %add3A_123 : vector<84x1xi32>
      %swap3A_144 = arith.constant 0 : index
      %swap3A_145 = arith.constant 0 : index
      %swap3A_146 = vector.load %arg7[%swap3A_144, %swap3A_145] : memref<84x1xi32, #tpu.memory_space<vmem>>, vector<84x1xi32>
      tpu.vector_store %arg7[%swap3A_144, %swap3A_145], %max3A_143 {strides = array<i32>} : memref<84x1xi32, #tpu.memory_space<vmem>>, vector<84x1xi32>,
      %jit3A_147 = arith.constant 0 : i32
      %broadcast_in_dim3A_148 = vector.shape_cast %convert_element_type3A_23 : vector<1x64xi32> to vector<1x64xi32>
      %broadcast_in_dim3A_149 = vector.broadcast %broadcast_in_dim3A_148 : vector<1x64xi32> to vector<84x64xi32>
      %broadcast_in_dim3A_150 = vector.broadcast %jit3A_147 : i32 to vector<84x64xi32>
      %select_n3A_151 = arith.select %eq3A_102, %broadcast_in_dim3A_149, %broadcast_in_dim3A_150 : vector<84x64xi1>, vector<84x64xi32>
      %reduce_sum3A_152 = arith.constant dense<0> : vector<84xi32>
      %reduce_sum3A_153 = vector.multi_reduction <add>, %select_n3A_151, %reduce_sum3A_152 [1] : vector<84x64xi32> to vector<84xi32>
      %broadcast_in_dim3A_154 = vector.shape_cast %reduce_sum3A_153 : vector<84xi32> to vector<84x1xi32>
      %add3A_155 = arith.constant 128 : i32
      %add3A_156 = vector.broadcast %add3A_155 : i32 to vector<84x1xi32>
      %add3A_157 = arith.addi %add3A_123, %add3A_156 : vector<84x1xi32>
      %min3A_158 = arith.minsi %broadcast_in_dim3A_154, %add3A_157 : vector<84x1xi32>
      %swap3A_159 = arith.constant 0 : index
      %swap3A_160 = arith.constant 0 : index
      %swap3A_161 = vector.load %arg8[%swap3A_159, %swap3A_160] : memref<84x1xi32, #tpu.memory_space<vmem>>, vector<84x1xi32>
      tpu.vector_store %arg8[%swap3A_159, %swap3A_160], %min3A_158 {strides = array<i32>} : memref<84x1xi32, #tpu.memory_space<vmem>>, vector<84x1xi32>,
      %swap3A_162 = arith.constant 0 : index
      %swap3A_163 = arith.constant 0 : index
      %swap3A_164 = vector.load %arg11[%swap3A_162, %swap3A_163] : memref<1x64xf32, #tpu.memory_space<vmem>>, vector<1x64xf32>
      tpu.vector_store %arg11[%swap3A_162, %swap3A_163], %dot_general3A_21 {strides = array<i32>} : memref<1x64xf32, #tpu.memory_space<vmem>>, vector<1x64xf32>,
    } else {
    }
    %gt3A = arith.constant 8 : i32
    %gt3A_11 = arith.cmpi sgt, %arg0, %gt3A : i32
    %convert_element_type3A_12 = arith.extui %gt3A_11 : i1 to i32
    %cond3A_13 = arith.constant 0 : i32
    %cond3A_14 = arith.cmpi ne, %convert_element_type3A_12, %cond3A_13 : i32
    scf.if %cond3A_14 {
      %sub3A = arith.constant 8 : i32
      %sub3A_15 = arith.subi %arg0, %sub3A : i32
      %sub3A_16 = arith.constant 1 : i32
      %sub3A_17 = arith.subi %sub3A_15, %sub3A_16 : i32
      %mul3A = arith.constant 256 : i32
      %mul3A_18 = arith.muli %sub3A_17, %mul3A : i32
      %get3A = arith.index_cast %mul3A_18 : i32 to index
      %get3A_19 = vector.load %arg9[%get3A] : memref<2048xi32, #tpu.memory_space<vmem>>, vector<256xi32>
      %iota3A = tpu.iota {dimensions = array<i32: 1>} : vector<256x64xi32>
      %broadcast_in_dim3A = vector.shape_cast %get3A_19 : vector<256xi32> to vector<256x1xi32>
      %eq3A_20 = vector.broadcast %broadcast_in_dim3A : vector<256x1xi32> to vector<256x64xi32>
      %eq3A_21 = arith.cmpi eq, %eq3A_20, %iota3A : vector<256x64xi32>
      %convert_element_type3A_22 = arith.extui %eq3A_21 : vector<256x64xi1> to vector<256x64xi32>
      %convert_element_type3A_23 = arith.sitofp %convert_element_type3A_22 : vector<256x64xi32> to vector<256x64xf32>
      %iota3A_24 = tpu.iota {dimensions = array<i32: 0>} : vector<256x256xi32>
      %iota3A_25 = tpu.iota {dimensions = array<i32: 1>} : vector<256x256xi32>
      %gt3A_26 = arith.cmpi sgt, %iota3A_24, %iota3A_25 : vector<256x256xi32>
      %convert_element_type3A_27 = arith.extui %gt3A_26 : vector<256x256xi1> to vector<256x256xi32>
      %convert_element_type3A_28 = arith.sitofp %convert_element_type3A_27 : vector<256x256xi32> to vector<256x256xf32>
      %dot_general3A = arith.constant dense<0.000000e+00> : vector<256x64xf32>
      %dot_general3A_29 = tpu.matmul %convert_element_type3A_28, %convert_element_type3A_23, %dot_general3A {dimension_numbers = #tpu.dot_dimension_numbers<[1], [0], [0], [1], [0, 0, 1, 1], [], []>, transpose_lhs_hint = false} : vector<256x256xf32>, vector<256x64xf32>, vector<256x64xf32> -> vector<256x64xf32>
      %get3A_30 = arith.constant 0 : index
      %get3A_31 = arith.constant 0 : index
      %get3A_32 = vector.load %arg11[%get3A_30, %get3A_31] : memref<1x64xf32, #tpu.memory_space<vmem>>, vector<1x64xf32>
      %add3A = vector.broadcast %get3A_32 : vector<1x64xf32> to vector<256x64xf32>
      %add3A_33 = arith.addf %dot_general3A_29, %add3A : vector<256x64xf32>
      %mul3A_34 = arith.mulf %add3A_33, %convert_element_type3A_23 : vector<256x64xf32>
      %reduce_sum3A = arith.constant dense<0.000000e+00> : vector<256xf32>
      %reduce_sum3A_35 = vector.multi_reduction <add>, %mul3A_34, %reduce_sum3A [1] : vector<256x64xf32> to vector<256xf32>
      %convert_element_type3A_36 = arith.fptosi %reduce_sum3A_35 : vector<256xf32> to vector<256xi32>
      %swap3A = arith.constant 0 : index
      %swap3A_37 = vector.load %arg3[%swap3A] : memref<256xi32, #tpu.memory_space<vmem>>, vector<256xi32>
      tpu.vector_store %arg3[%swap3A], %convert_element_type3A_36 {strides = array<i32>} : memref<256xi32, #tpu.memory_space<vmem>>, vector<256xi32>,
      %get3A_38 = arith.constant 0 : index
      %get3A_39 = arith.constant 0 : index
      %get3A_40 = vector.load %arg11[%get3A_38, %get3A_39] : memref<1x64xf32, #tpu.memory_space<vmem>>, vector<1x64xf32>
      %reduce_sum3A_41 = arith.constant dense<0.000000e+00> : vector<64xf32>
      %reduce_sum3A_42 = vector.multi_reduction <add>, %convert_element_type3A_23, %reduce_sum3A_41 [0] : vector<256x64xf32> to vector<64xf32>
      %broadcast_in_dim3A_43 = vector.shape_cast %reduce_sum3A_42 : vector<64xf32> to vector<1x64xf32>
      %add3A_44 = arith.addf %get3A_40, %broadcast_in_dim3A_43 : vector<1x64xf32>
      %swap3A_45 = arith.constant 0 : index
      %swap3A_46 = arith.constant 0 : index
      %swap3A_47 = vector.load %arg11[%swap3A_45, %swap3A_46] : memref<1x64xf32, #tpu.memory_space<vmem>>, vector<1x64xf32>
      tpu.vector_store %arg11[%swap3A_45, %swap3A_46], %add3A_44 {strides = array<i32>} : memref<1x64xf32, #tpu.memory_space<vmem>>, vector<1x64xf32>,
    } else {
    }
    return
  }
  func.func @transform_0(%arg0: i32) -> (i32, i32) {
    %min3A = arith.constant 7 : i32
    %min3A_0 = arith.minsi %arg0, %min3A : i32
    %c0_i32 = arith.constant 0 : i32
    %c0_i32_1 = arith.constant 0 : i32
    return %min3A_0, %c0_i32 : i32, i32
  }
  func.func @transform_1(%arg0: i32) -> (i32, i32) {
    %c0_i32 = arith.constant 0 : i32
    %c0_i32_0 = arith.constant 0 : i32
    %c0_i32_1 = arith.constant 0 : i32
    return %c0_i32, %c0_i32_0 : i32, i32
  }
  func.func @transform_2(%arg0: i32) -> i32 {
    %sub3A = arith.constant 8 : i32
    %sub3A_0 = arith.subi %arg0, %sub3A : i32
    %sub3A_1 = arith.constant 1 : i32
    %sub3A_2 = arith.subi %sub3A_0, %sub3A_1 : i32
    %jit3A = arith.constant 0 : i32
    %jit3A_3 = arith.constant 7 : i32
    %max3A = arith.maxsi %jit3A, %sub3A_2 : i32
    %min3A = arith.minsi %jit3A_3, %max3A : i32
    %c0_i32 = arith.constant 0 : i32
    return %min3A : i32
  }
  func.func @transform_3(%arg0: i32) -> (i32, i32) {
    %min3A = arith.constant 7 : i32
    %min3A_0 = arith.minsi %arg0, %min3A : i32
    %c0_i32 = arith.constant 0 : i32
    %c0_i32_1 = arith.constant 0 : i32
    return %min3A_0, %c0_i32 : i32, i32
  }
  func.func @transform_4(%arg0: i32) -> (i32, i32) {
    %c0_i32 = arith.constant 0 : i32
    %c0_i32_0 = arith.constant 0 : i32
    %c0_i32_1 = arith.constant 0 : i32
    return %c0_i32, %c0_i32_0 : i32, i32
  }
  func.func @transform_5(%arg0: i32) -> (i32, i32) {
    %c0_i32 = arith.constant 0 : i32
    %c0_i32_0 = arith.constant 0 : i32
    %c0_i32_1 = arith.constant 0 : i32
    return %c0_i32, %c0_i32_0 : i32, i32
  }
  func.func @transform_6(%arg0: i32) -> (i32, i32) {
    %c0_i32 = arith.constant 0 : i32
    %c0_i32_0 = arith.constant 0 : i32
    %c0_i32_1 = arith.constant 0 : i32
    return %c0_i32, %c0_i32_0 : i32, i32
  }
  func.func @transform_7(%arg0: i32) -> (i32, i32) {
    %c0_i32 = arith.constant 0 : i32
    %c0_i32_0 = arith.constant 0 : i32
    %c0_i32_1 = arith.constant 0 : i32
    return %c0_i32, %c0_i32_0 : i32, i32
  }
}

</mosaic_0001>

<sc_bundles>
// kernel: kernel.6.cloned.1.call-start
scs
__scs_entry_jumppad:
0x0: {  	(pc) =	sbr.rel $0x88, $3  }
0x1: {  	(tag) =	ssettag $0x0;
	lr =	simm.s32 $0x1  }
0x2: {  	[smem:$0x3F9D] =	sst lr;
	_ =	strace $0xD0000000  }
0x3: {  	_ = 	snop  }
0x4: {  	_ = 	snop  }
0x5: {  	_ = 	snop  }
0x6: {  	_ = 	snop  }
0x7: {  	_ = 	snop  }
__scs_overlays_trampoline_lowered:
0x8: {  	[smem:$0x3FAC] =	sst s0  }
0x9: {  	[smem:$0x3FAD] =	sst s1  }
0xa: {  	[smem:$0x3FAE] =	sst s2  }
0xb: {  	[smem:$0x3FAF] =	sst s3  }
0xc: {  	[smem:$0x3FB0] =	sst s4  }
0xd: {  	[smem:$0x3FB1] =	sst s5  }
0xe: {  	[smem:$0x3FB2] =	sst s6  }
0xf: {  	[smem:$0x3FB3] =	sst s7  }
0x10: {  	[smem:$0x3FB4] =	sst s8  }
0x11: {  	[smem:$0x3FB5] =	sst s9;
	s0 =	simm.s32 @!p0 $0x0  }
0x12: {  	s1 =	sld [smem:$0x3F9B];
	s0 =	simm.s32 @p0 $0x1  }
0x13: {  	[smem:$0x3FB6] =	sst s0;
	s0 =	simm.s32 @!p1 $0x0  }
0x14: {  	s2 =	sld [smem:$0x3F9A];
	s0 =	simm.s32 @p1 $0x1  }
0x15: {  	[smem:$0x3FB7] =	sst s0;
	s0 =	simm.s32 @!p2 $0x0  }
0x16: {  	s3 =	sld [smem:$0x3FDB];
	s0 =	simm.s32 @p2 $0x1  }
0x17: {  	s4 =	simm.s32 $0x1BF5;
	[smem:$0x3FB9] =	sst s0  }
0x18: {  	s0 =	sld [smem:$0x3F9C];
	_ =	swait.ge [sflag:s4], $0x0  }
0x19: {  	s7 =	sld [smem:$0x3F9D]  }
0x1a: {  	s8 =	sadd.s32 $0xFFFFE003, lr  }
0x1b: {  	s9 =	sadd.s32 $0xFFFFFEF7, lr;
	s5 =	simm.s32 $0xFFFFFFFF;
	p2 =	slt.u32 s8, $0xFFFFF086  }
0x1c: {  	p1 =	slt.u32 s9, $0xF7A;
	s5 =	simm.s32 @!p2 $0x0  }
0x1d: {  	s5 =	simm.s32 @p1 $0x1;
	p0 =	seq.s32 s7, s2  }
0x1e: {  	s7 =	smul.u32 @!p0 $0xF7A, s2;
	p2 =	seq.s32 @!p0 s5, $0x0  }
0x1f: {  	s9 =	smul.u32 $0xF7A, s1;
	s8 =	simm.s32 @!p0 $0x1BF5;
	p2 =	por !p2, p0  }
0x20: {  	[sflag:s8] =	ssyncset.s32 @!p0 $0xFFFFF086;
	s6 =	sadd.s32 @!p0 s3, s7;
	s7 =	simm.s32 @!p0 $0x108  }
0x21: {  	s3 =	sadd.s32 s3, s9;
	s6 =	sadd.s32 @!p0 $0x88, s6;
	s7 =	simm.s32 @p2 $0x1082  }
0x22: {  	[simem:s7], [sflag:s8] =	dma.local @!p0 [hbm:s6], $0xF7A  }
0x23: {  	s9 =	sor.u32 $0xD0000000, s2;
	s6 =	simm.s32 $0x108;
	_ =	swait.ge @!p0 [sflag:s8], $0x0  }
0x24: {  	s3 =	sadd.s32 $0x88, s3;
	s6 =	simm.s32 @!p1 $0x1082;
	[sflag:s4] =	ssyncset.s32 $0xFFFFF086  }
0x25: {  	[simem:s6], [sflag:s4] =	dma.local [hbm:s3], $0xF7A  }
0x26: {  	[smem:$0x3F9D] =	sst s1;
	(tag) =	ssettag s2;
	_ =	strace s9  }
0x27: {  	s1 =	sld [smem:$0x3FAD]  }
0x28: {  	s2 =	sld [smem:$0x3FAE]  }
0x29: {  	s4 =	sld [smem:$0x3FB0]  }
0x2a: {  	p0 =	seq.s32 s5, $0x0;
	s5 =	sld [smem:$0x3FB1]  }
0x2b: {  	s6 =	sld [smem:$0x3FB2]  }
0x2c: {  	s7 =	sld [smem:$0x3FB3]  }
0x2d: {  	s3 =	simm.s32 $0x108;
	s8 =	sld [smem:$0x3FB4]  }
0x2e: {  	s3 =	simm.s32 @!p0 $0x1082;
	s9 =	sld [smem:$0x3FB5]  }
0x2f: {  	lr =	sadd.s32 s0, s3;
	s0 =	sld [smem:$0x3FAC]  }
0x30: {  	s3 =	sld [smem:$0x3FAF]  }
0x31: {  	[smem:$0x3FB8] =	sst s10  }
0x32: {  	s10 =	sld [smem:$0x3FB6];
	_ =	sdelay $0x3  }
0x33: {  	p0 =	seq.s32 s10, $0x1;
	s10 =	sld [smem:$0x3FB8];
	_ =	sdelay $0x3  }
0x34: {  	[smem:$0x3FB8] =	sst s10  }
0x35: {  	s10 =	sld [smem:$0x3FB7];
	_ =	sdelay $0x3  }
0x36: {  	p1 =	seq.s32 s10, $0x1;
	s10 =	sld [smem:$0x3FB8];
	_ =	sdelay $0x3  }
0x37: {  	[smem:$0x3FB8] =	sst s10  }
0x38: {  	s10 =	sld [smem:$0x3FB9]  }
0x39: {  	_ = 	snop;
	(pc) =	sbr.ind lr, $3  }
0x3a: {  	_ = 	snop  }
0x3b: {  	_ = 	snop  }
0x3c: {  	p2 =	seq.s32 s10, $0x1;
	s10 =	sld [smem:$0x3FB8]  }
0x3d: {  	_ =	shalt  }
0x3e: {  	_ =	shalt  }
0x3f: {  	_ =	shalt  }
0x40: {  	_ =	shalt  }
0x41: {  	_ =	shalt  }
0x42: {  	_ =	shalt  }
0x43: {  	_ =	shalt  }
0x44: {  	_ =	shalt  }
0x45: {  	_ =	shalt  }
0x46: {  	_ =	shalt  }
0x47: {  	_ =	shalt  }
0x48: {  	_ =	shalt  }
0x49: {  	_ =	shalt  }
0x4a: {  	_ =	shalt  }
0x4b: {  	_ =	shalt  }
0x4c: {  	_ =	shalt  }
0x4d: {  	_ =	shalt  }
0x4e: {  	_ =	shalt  }
0x4f: {  	_ =	shalt  }
0x50: {  	_ =	shalt  }
0x51: {  	_ =	shalt  }
0x52: {  	_ =	shalt  }
0x53: {  	_ =	shalt  }
0x54: {  	_ =	shalt  }
0x55: {  	_ =	shalt  }
0x56: {  	_ =	shalt  }
0x57: {  	_ =	shalt  }
0x58: {  	_ =	shalt  }
0x59: {  	_ =	shalt  }
0x5a: {  	_ =	shalt  }
0x5b: {  	_ =	shalt  }
0x5c: {  	_ =	shalt  }
0x5d: {  	_ =	shalt  }
0x5e: {  	_ =	shalt  }
0x5f: {  	_ =	shalt  }
0x60: {  	_ =	shalt  }
0x61: {  	_ =	shalt  }
0x62: {  	_ =	shalt  }
0x63: {  	_ =	shalt  }
0x64: {  	_ =	shalt  }
0x65: {  	_ =	shalt  }
0x66: {  	_ =	shalt  }
0x67: {  	_ =	shalt  }
0x68: {  	_ =	shalt  }
0x69: {  	_ =	shalt  }
0x6a: {  	_ =	shalt  }
0x6b: {  	_ =	shalt  }
0x6c: {  	_ =	shalt  }
0x6d: {  	_ =	shalt  }
0x6e: {  	_ =	shalt  }
0x6f: {  	_ =	shalt  }
0x70: {  	_ =	shalt  }
0x71: {  	_ =	shalt  }
0x72: {  	_ =	shalt  }
0x73: {  	_ =	shalt  }
0x74: {  	_ =	shalt  }
0x75: {  	_ =	shalt  }
0x76: {  	_ =	shalt  }
0x77: {  	_ =	shalt  }
0x78: {  	_ =	shalt  }
0x79: {  	_ =	shalt  }
0x7a: {  	_ =	shalt  }
0x7b: {  	_ =	shalt  }
0x7c: {  	_ =	shalt  }
0x7d: {  	_ =	shalt  }
0x7e: {  	_ =	shalt  }
0x7f: {  	_ =	shalt  }
0x80: {  	_ =	shalt  }
0x81: {  	_ =	shalt  }
0x82: {  	_ =	shalt  }
0x83: {  	_ =	shalt  }
0x84: {  	_ =	shalt  }
0x85: {  	_ =	shalt  }
0x86: {  	_ =	shalt  }
0x87: {  	_ =	shalt  }
.Lfunc_end0:
.L_simem_size_0:
called_computation_lowered:
.L_overlay_start_0:
0x88: {  	s2 =	sld [smem:$0x3FD9]  }
0x89: {  	s3 =	sld [smem:$0x3FFE];
	_ =	sdelay $0x1  }
0x8a: {  	s1 =	srdreg.scid  }
0x8b: {  	s0 =	sand.u32 $0x1, s1  }
0x8c: {  	s17 =	sshll.u32 s0, $0xA;
	s2 =	sadd.s32 s3, s2  }
0x8d: {  	s2 =	sadd.s32 s2, s17  }
0x8e: {  	[smem:$0x3FC4] =	sst s2  }
0x8f: {  	_ = 	snop  }
0x90: {  	s2 =	sld [smem:$0x3FD0];
	(tm) =	ssettm $0x1  }
0x91: {  	s18 =	sld [smem:$0x3FFB];
	_ =	sdelay $0x3  }
0x92: {  	_ =	strace s18  }
0x93: {  	s3 =	sld [smem:$0x3FFC];
	_ =	sdelay $0x3  }
0x94: {  	_ =	strace s3  }
0x95: {  	s3 =	sld [smem:$0x3FFD];
	_ =	sdelay $0x3  }
0x96: {  	_ =	strace s3  }
0x97: {  	_ =	strace $0x8FFFFFFF  }
0x98: {  	s19 =	sld [smem:$0x3FDB];
	_ =	sdelay $0x1  }
0x99: {  	s4 =	simm.s32 $_scs_section_size  }
0x9a: {  	s5 =	simm.s32 $_size__tile_overlayer_lowered;
	s6 =	simm.s32 $_tile_overlayer_lowered  }
0x9b: {  	s22 =	simm.s32 $0x1BFF;
	s21 =	sshll.u32 s6, $0x1;
	s3 =	sadd.s32 s4, s19  }
0x9c: {  	s7 =	simm.s32 $0x0;
	s20 =	sshll.u32 s5, $0x1;
	s5 =	sadd.s32 s21, s3  }
0x9d: {  	[timem:s7], [sflag:s22] =	dma.local [hbm:s5], s20  }
0x9e: {  	_ =	swait.ge [sflag:s22], s20  }
0x9f: {  	s4 =	ssub.s32 $0x0, s20;
	[sflag:s22] =	ssyncset.done $0x0  }
0xa0: {  	[sflag:s22] =	ssyncadd.s32 s4;
	_ =	sdelay $0x1  }
0xa1: {  	s23 =	simm.s32 $0x1B8B  }
0xa2: {  	_ =	swait.ge [sflag:s23], $0x1  }
0xa3: {  	[sflag:s23] =	ssyncset.done $0x0  }
0xa4: {  	s25 =	simm.s32 $0x1B8E;
	s24 =	sld [smem:$0x3FFE];
	[sflag:s23] =	ssyncadd.s32 $0xFFFFFFFF  }
0xa5: {  	s26 =	simm.s32 $execute0_lowered;
	[smem:$0x3FD2] =	sst s25  }
0xa6: {  	s5 =	sshll.u32 s26, $0x1;
	_ =	strace $0x80000046;
	[dreg:$0x1] =	wrdreg $0xFFFFFFFF  }
0xa7: {  	s28 =	simm.s32 $_size_execute0_lowered;
	s3 =	sadd.s32 s3, s5;
	[dreg:$0x0] =	wrdreg $0x0  }
0xa8: {  	s5 =	sshll.u32 s28, $0x1;
	[dreg:$0x2] =	wrdreg s3  }
0xa9: {  	[dreg:$0x3] =	wrdreg s5  }
0xaa: {  	[dreg:$0x4] =	wrdreg $0xC0  }
0xab: {  	_ =	task [dreg:s7], $0x5FFFF  }
0xac: {  	[dreg:$0x1] =	wrdreg $0xFFFFFFFF  }
0xad: {  	[dreg:$0x0] =	wrdreg $0x60  }
0xae: {  	[dreg:$0x2] =	wrdreg s2  }
0xaf: {  	[dreg:$0x3] =	wrdreg s24  }
0xb0: {  	[dreg:$0x4] =	wrdreg $0x9  }
0xb1: {  	_ =	task.clear_ibuf [dreg:s7], $0x5FFFF;
	_ =	strace $0x90000046  }
0xb2: {  	s29 =	simm.s32 $0x9;
	_ =	strace $0x80000048  }
0xb3: {  	_ =	swait.ge [sflag:s29], $0x1  }
0xb4: {  	[sflag:s29] =	ssyncadd.s32 $0xFFFFFFFF  }
0xb5: {  	_ =	strace $0x90000048  }
0xb6: {  	_ =	sfence  }
0xb7: {  	s30 =	sld [smem:$0x0];
	_ =	sdelay $0x2  }
0xb8: {  	s31 =	sshll.u32 s1, $0xD;
	s1 =	sshrl.u32 s1, $0x2  }
0xb9: {  	s3 =	sand.u32 $0x4000, s31;
	s1 =	sadd.s32 s1, s30  }
0xba: {  	s0 =	sor.u32 s3, s0;
	s1 =	sshll.u32 s1, $0x11  }
0xbb: {  	s0 =	sor.u32 s1, s0  }
0xbc: {  	s0 =	sadd.s32 $0x8F2B, s0  }
0xbd: {  	[sflag:s0] =	ssyncadd.remote.s32 $0x1  }
0xbe: {  	_ =	sfence.sel $0xFFFF  }
0xbf: {  	[dreg:$0x0] =	wrdreg $0xFFFFFFFF;
	(pc) =	sbr.abs _section_cstart, $3  }
0xc0: {  	[dreg:$0x1] =	wrdreg $0xFFFFFFFF  }
0xc1: {  	_ =	task.clear_ibuf [dreg:s7], $0x2FFFF;
	_ =	strace $0x9FFFFFFF  }
0xc2: {  	(tm) =	ssettm $0x7FFFFFFF  }
0xc3: {  	_ =	shalt  }
tec
execute0_lowered:
.L_overlay_start_1:
0x0: {  	(tag) =	ssettag $0x1  }
0x1: {  	s1 =	srdreg.scid  }
0x2: {  	s3 =	rddreg [dreg:$0x0];
	s0 =	stileid.u32  }
0x3: {  	s5 =	rddreg [dreg:$0x1];
	s2 =	simm.s32 $0x0;
	s8 =	simm.s32 $0x80  }
0x4: {  	s26 =	simm.s32 $0x880;
	s9 =	simm.s32 $0x1080;
	s10 =	simm.s32 $0x1880  }
0x5: {  	s11 =	simm.s32 $0x2080;
	s12 =	simm.s32 $0x2880;
	s13 =	simm.s32 $0x3080  }
0x6: {  	s14 =	simm.s32 $0x3880;
	s15 =	simm.s32 $0x4080;
	s16 =	simm.s32 $0x4880  }
0x7: {  	s17 =	simm.s32 $0x5080;
	s18 =	simm.s32 $0x5880;
	s19 =	simm.s32 $0x6080  }
0x8: {  	s20 =	simm.s32 $0x6880;
	s21 =	simm.s32 $0x7080;
	s22 =	simm.s32 $0x7880  }
0x9: {  	s23 =	simm.s32 $0x8080;
	s24 =	simm.s32 $0x8880;
	s25 =	simm.s32 $0x9080  }
0xa: {  	s28 =	simm.s32 $0xA080;
	s29 =	simm.s32 $0xA880;
	s30 =	simm.s32 $0xB080  }
0xb: {  	s31 =	simm.s32 $0xB880;
	s1 =	sand.u32 $0x1, s1;
	[smem:$0x7FF] =	sst s2  }
0xc: {  	s4 =	sshll.u32 s0, $0x4;
	s6 =	sshll.u32 s1, $0x3;
	_ =	strace $0x80000047  }
0xd: {  	s1 =	ssub.s32 $0x2, s1;
	[dreg:$0x5] =	wrdreg s26;
	s4 =	sor.u32 s6, s4  }
0xe: {  	s7 =	sshrl.u32 s1, $0x1;
	s6 =	sadd.s32 s4, s5;
	s4 =	smul.u32 $0x300, s4  }
0xf: {  	s26 =	simm.s32 $0x9880;
	s1 =	ssub.s32 s1, s7;
	s6 =	sadd.s32 $0x1400, s6  }
0x10: {  	v2 =	vlaneseq.u32;
	s7 =	simm.s32 $0x2;
	[dreg:$0x3] =	wrdreg s6;
	s4 =	sadd.s32 s3, s4  }
0x11: {  	vm0 =	vmmov $0xffff;
	v1 =	vshrl.u32 v2, $0x3;
	s3 =	sadd.s32 $0x1600, s5;
	s6 =	smax.u32 s1, $0x1;
	s1 =	simm.s32 $0x1  }
0x12: {  	v0 =	vand.u32 $0x7, v2;
	v2 =	vor.u32 $0x8, v2;
	v1 =	vmul.u32 $0x8, v1;
	[dreg:$0x4] =	wrdreg s4;
	s4 =	sadd.s32 $0x1700, s5;
	s5 =	sadd.s32 $0x1800, s5  }
.LBB2_1:
0x13: {  	s0 =	rddreg [dreg:$0x3]  }
0x14: {  	[tilespmem:s2], [sflag:$0x2] =	stream.linear.gather [hbm4b:s0+s2], $0x40, $0x38;
	[tilespmem:$0xC080] =	vst v63  }
0x15: {  	_ =	swait.ge [sflag:s7], $0x40  }
0x16: {  	[sflag:s7] =	ssyncset.done $0x0  }
0x17: {  	s0 =	rddreg [dreg:$0x4];
	[sflag:s7] =	ssyncadd.s32 $0xFFFFFFC0  }
0x18: {  	[tilespmem:s8], [sflag:$0x2] =	stream.linear.gather [hbm4b:s0+s2], $0xC000, $0x38;
	[tilespmem:$0xC080] =	vst v63  }
0x19: {  	_ =	swait.ge [sflag:s7], $0xC000  }
0x1a: {  	[sflag:s7] =	ssyncset.done $0x0  }
0x1b: {  	[sflag:s7] =	ssyncadd.s32 $0xFFFF4000  }
0x1c: {  	v3 =	vld [tilespmem:$0x0];
	_ =	sdelay $0x4  }
0x1d: {  	v4 =	vshrl.u32 v3, $0x3  }
0x1e: {  	v4 =	vmul.u32 $0x30, v4  }
0x1f: {  	v3 =	vand.u32 $0x7, v3  }
0x20: {  	v3 =	vor.u32 v3, v4  }
0x21: {  	v4 =	vperm.xlane v3, v0;
	_ =	sdelay $0x1  }
0x22: {  	v4 =	vadd.s32 v1, v4;
	_ =	sdelay $0x3  }
0x23: {  	v3 =	vperm.xlane v3, v2  }
0x24: {  	[hbm4b:s3+s2] =	stream.indirect_vreg.scatter [tilespmem:s8], [sflag:$0x1], $0x80, v4, vm0, $0xb8;
	[tilespmem:$0xC080] =	vst v63  }
0x25: {  	s0 =	rddreg [dreg:$0x5];
	v3 =	vadd.s32 v1, v3  }
0x26: {  	[hbm4b:s4+s2] =	stream.indirect_vreg.scatter [tilespmem:s0], [sflag:$0x1], $0x80, v4, vm0, $0xb8;
	[tilespmem:$0xC080] =	vst v63  }
0x27: {  	_ = 	snop  }
0x28: {  	[hbm4b:s5+s2] =	stream.indirect_vreg.scatter [tilespmem:s9], [sflag:$0x1], $0x80, v4, vm0, $0xb8;
	[tilespmem:$0xC080] =	vst v63  }
0x29: {  	_ = 	snop  }
0x2a: {  	[hbm4b:s3+s2] =	stream.indirect_vreg.scatter [tilespmem:s10], [sflag:$0x1], $0x80, v3, vm0, $0xb8;
	[tilespmem:$0xC080] =	vst v63  }
0x2b: {  	_ = 	snop  }
0x2c: {  	[hbm4b:s4+s2] =	stream.indirect_vreg.scatter [tilespmem:s11], [sflag:$0x1], $0x80, v3, vm0, $0xb8;
	[tilespmem:$0xC080] =	vst v63  }
0x2d: {  	_ = 	snop  }
0x2e: {  	[hbm4b:s5+s2] =	stream.indirect_vreg.scatter [tilespmem:s12], [sflag:$0x1], $0x80, v3, vm0, $0xb8;
	[tilespmem:$0xC080] =	vst v63  }
0x2f: {  	v3 =	vld [tilespmem:$0x10];
	_ =	sdelay $0x4  }
0x30: {  	v61 =	vshrl.u32 v3, $0x3  }
0x31: {  	v4 =	vmul.u32 $0x30, v61  }
0x32: {  	v3 =	vand.u32 $0x7, v3  }
0x33: {  	v3 =	vor.u32 v3, v4  }
0x34: {  	v4 =	vperm.xlane v3, v0;
	_ =	sdelay $0x1  }
0x35: {  	v4 =	vadd.s32 v1, v4;
	_ =	sdelay $0x3  }
0x36: {  	v3 =	vperm.xlane v3, v2  }
0x37: {  	[hbm4b:s3+s2] =	stream.indirect_vreg.scatter [tilespmem:s13], [sflag:$0x1], $0x80, v4, vm0, $0xb8;
	[tilespmem:$0xC080] =	vst v63  }
0x38: {  	v3 =	vadd.s32 v1, v3  }
0x39: {  	[hbm4b:s4+s2] =	stream.indirect_vreg.scatter [tilespmem:s14], [sflag:$0x1], $0x80, v4, vm0, $0xb8;
	[tilespmem:$0xC080] =	vst v63  }
0x3a: {  	_ = 	snop  }
0x3b: {  	[hbm4b:s5+s2] =	stream.indirect_vreg.scatter [tilespmem:s15], [sflag:$0x1], $0x80, v4, vm0, $0xb8;
	[tilespmem:$0xC080] =	vst v63  }
0x3c: {  	_ = 	snop  }
0x3d: {  	[hbm4b:s3+s2] =	stream.indirect_vreg.scatter [tilespmem:s16], [sflag:$0x1], $0x80, v3, vm0, $0xb8;
	[tilespmem:$0xC080] =	vst v63  }
0x3e: {  	_ = 	snop  }
0x3f: {  	[hbm4b:s4+s2] =	stream.indirect_vreg.scatter [tilespmem:s17], [sflag:$0x1], $0x80, v3, vm0, $0xb8;
	[tilespmem:$0xC080] =	vst v63  }
0x40: {  	_ = 	snop  }
0x41: {  	[hbm4b:s5+s2] =	stream.indirect_vreg.scatter [tilespmem:s18], [sflag:$0x1], $0x80, v3, vm0, $0xb8;
	[tilespmem:$0xC080] =	vst v63  }
0x42: {  	v3 =	vld [tilespmem:$0x20];
	_ =	sdelay $0x4  }
0x43: {  	v62 =	vshrl.u32 v3, $0x3  }
0x44: {  	v4 =	vmul.u32 $0x30, v62  }
0x45: {  	v3 =	vand.u32 $0x7, v3  }
0x46: {  	v3 =	vor.u32 v3, v4  }
0x47: {  	v4 =	vperm.xlane v3, v0;
	_ =	sdelay $0x1  }
0x48: {  	v4 =	vadd.s32 v1, v4;
	_ =	sdelay $0x3  }
0x49: {  	v3 =	vperm.xlane v3, v2  }
0x4a: {  	[hbm4b:s3+s2] =	stream.indirect_vreg.scatter [tilespmem:s19], [sflag:$0x1], $0x80, v4, vm0, $0xb8;
	[tilespmem:$0xC080] =	vst v63  }
0x4b: {  	v3 =	vadd.s32 v1, v3  }
0x4c: {  	[hbm4b:s4+s2] =	stream.indirect_vreg.scatter [tilespmem:s20], [sflag:$0x1], $0x80, v4, vm0, $0xb8;
	[tilespmem:$0xC080] =	vst v63  }
0x4d: {  	_ = 	snop  }
0x4e: {  	[hbm4b:s5+s2] =	stream.indirect_vreg.scatter [tilespmem:s21], [sflag:$0x1], $0x80, v4, vm0, $0xb8;
	[tilespmem:$0xC080] =	vst v63  }
0x4f: {  	_ = 	snop  }
0x50: {  	[hbm4b:s3+s2] =	stream.indirect_vreg.scatter [tilespmem:s22], [sflag:$0x1], $0x80, v3, vm0, $0xb8;
	[tilespmem:$0xC080] =	vst v63  }
0x51: {  	_ = 	snop  }
0x52: {  	[hbm4b:s4+s2] =	stream.indirect_vreg.scatter [tilespmem:s23], [sflag:$0x1], $0x80, v3, vm0, $0xb8;
	[tilespmem:$0xC080] =	vst v63  }
0x53: {  	_ = 	snop  }
0x54: {  	[hbm4b:s5+s2] =	stream.indirect_vreg.scatter [tilespmem:s24], [sflag:$0x1], $0x80, v3, vm0, $0xb8;
	[tilespmem:$0xC080] =	vst v63  }
0x55: {  	v3 =	vld [tilespmem:$0x30];
	_ =	sdelay $0x4  }
0x56: {  	v63 =	vshrl.u32 v3, $0x3  }
0x57: {  	v4 =	vmul.u32 $0x30, v63  }
0x58: {  	v3 =	vand.u32 $0x7, v3  }
0x59: {  	v3 =	vor.u32 v3, v4  }
0x5a: {  	v4 =	vperm.xlane v3, v0;
	_ =	sdelay $0x1  }
0x5b: {  	v4 =	vadd.s32 v1, v4;
	_ =	sdelay $0x3  }
0x5c: {  	v3 =	vperm.xlane v3, v2  }
0x5d: {  	[hbm4b:s3+s2] =	stream.indirect_vreg.scatter [tilespmem:s25], [sflag:$0x1], $0x80, v4, vm0, $0xb8;
	[tilespmem:$0xC080] =	vst v63  }
0x5e: {  	v3 =	vadd.s32 v1, v3  }
0x5f: {  	[hbm4b:s4+s2] =	stream.indirect_vreg.scatter [tilespmem:s26], [sflag:$0x1], $0x80, v4, vm0, $0xb8;
	[tilespmem:$0xC080] =	vst v63  }
0x60: {  	_ = 	snop  }
0x61: {  	[hbm4b:s5+s2] =	stream.indirect_vreg.scatter [tilespmem:s28], [sflag:$0x1], $0x80, v4, vm0, $0xb8;
	[tilespmem:$0xC080] =	vst v63  }
0x62: {  	_ = 	snop  }
0x63: {  	[hbm4b:s3+s2] =	stream.indirect_vreg.scatter [tilespmem:s29], [sflag:$0x1], $0x80, v3, vm0, $0xb8;
	[tilespmem:$0xC080] =	vst v63  }
0x64: {  	p0 =	sne.s32 s6, $0x1  }
0x65: {  	[hbm4b:s4+s2] =	stream.indirect_vreg.scatter [tilespmem:s30], [sflag:$0x1], $0x80, v3, vm0, $0xb8;
	[tilespmem:$0xC080] =	vst v63  }
.Ltmp0:
0x66: {  	_ = 	snop;
	(pc) =	sbr.rel @p0 .LBB2_1-.Ltmp0, $4  }
0x67: {  	[hbm4b:s5+s2] =	stream.indirect_vreg.scatter [tilespmem:s31], [sflag:$0x1], $0x80, v3, vm0, $0xb8;
	[tilespmem:$0xC080] =	vst v63  }
0x68: {  	_ =	swait.ge [sflag:s1], $0xC000  }
0x69: {  	[sflag:s1] =	ssyncset.done $0x0  }
0x6a: {  	s6 =	sadd.s32 $0xFFFFFFFF, s6;
	[sflag:s1] =	ssyncadd.s32 $0xFFFF4000  }
0x6b: {  	_ =	sfence.sel $0x180000  }
0x6c: {  	[bflag:$0x0] =	sbarrier.arrive $0xFFFF  }
0x6d: {  	_ =	strace $0x90000047  }
0x6e: {  	s0 =	stileid.u32;
	[bflag:$0x2] =	sbarrier.arrive $0xFFFF  }
0x6f: {  	p0 =	sne.s32 s0, $0x0;
	s0 =	rddreg [dreg:$0x2]  }
0x70: {  	s0 =	sadd.s32 @!p0 $0x100000, s0  }
0x71: {  	[sflag:s0] =	ssyncadd.tile.s32 @!p0 $0x1;
	_ =	shalt  }
.Lfunc_end2:
_tile_overlayer_lowered:
.L_overlay_start_2:
0x72: {  	(tag) =	ssettag $0x2  }
0x73: {  	s0 =	rddreg [dreg:$0x0];
	s2 =	stileid.u32  }
0x74: {  	s1 =	rddreg [dreg:$0x1];
	p0 =	sne.s32 s2, $0x0  }
0x75: {  	s3 =	rddreg [dreg:$0x2];
	[bflag:$0x3] =	sbarrier.arrive $0xFFFF;
	s2 =	simm.s32 @!p0 $0x1C02  }
0x76: {  	[timem:s3], [sflag:s2] =	dma.local @!p0 [hbm:s0], s1  }
0x77: {  	s0 =	simm.s32 @!p0 $0x2  }
0x78: {  	_ =	swait.ge @!p0 [sflag:s0], s1  }
0x79: {  	s1 =	ssub.s32 @!p0 $0x0, s1;
	[sflag:s0] =	ssyncset.done @!p0 $0x0  }
0x7a: {  	[sflag:s0] =	ssyncadd.s32 @!p0 s1  }
0x7b: {  	[bflag:$0x3] =	sbarrier.arrive $0xFFFF  }
0x7c: {  	_ =	shalt  }

// kernel: kernel.9.cloned.1.call-start
scs
__scs_entry_jumppad:
0x0: {  	(pc) =	sbr.rel $0x88, $3  }
0x1: {  	(tag) =	ssettag $0x0;
	lr =	simm.s32 $0x1  }
0x2: {  	[smem:$0x3F9D] =	sst lr;
	_ =	strace $0xD0000000  }
0x3: {  	_ = 	snop  }
0x4: {  	_ = 	snop  }
0x5: {  	_ = 	snop  }
0x6: {  	_ = 	snop  }
0x7: {  	_ = 	snop  }
__scs_overlays_trampoline_lowered:
0x8: {  	[smem:$0x3FAC] =	sst s0  }
0x9: {  	[smem:$0x3FAD] =	sst s1  }
0xa: {  	[smem:$0x3FAE] =	sst s2  }
0xb: {  	[smem:$0x3FAF] =	sst s3  }
0xc: {  	[smem:$0x3FB0] =	sst s4  }
0xd: {  	[smem:$0x3FB1] =	sst s5  }
0xe: {  	[smem:$0x3FB2] =	sst s6  }
0xf: {  	[smem:$0x3FB3] =	sst s7  }
0x10: {  	[smem:$0x3FB4] =	sst s8  }
0x11: {  	[smem:$0x3FB5] =	sst s9;
	s0 =	simm.s32 @!p0 $0x0  }
0x12: {  	s1 =	sld [smem:$0x3F9B];
	s0 =	simm.s32 @p0 $0x1  }
0x13: {  	[smem:$0x3FB6] =	sst s0;
	s0 =	simm.s32 @!p1 $0x0  }
0x14: {  	s2 =	sld [smem:$0x3F9A];
	s0 =	simm.s32 @p1 $0x1  }
0x15: {  	[smem:$0x3FB7] =	sst s0;
	s0 =	simm.s32 @!p2 $0x0  }
0x16: {  	s3 =	sld [smem:$0x3FDB];
	s0 =	simm.s32 @p2 $0x1  }
0x17: {  	s4 =	simm.s32 $0x1BF5;
	[smem:$0x3FB9] =	sst s0  }
0x18: {  	s0 =	sld [smem:$0x3F9C];
	_ =	swait.ge [sflag:s4], $0x0  }
0x19: {  	s7 =	sld [smem:$0x3F9D]  }
0x1a: {  	s8 =	sadd.s32 $0xFFFFE003, lr  }
0x1b: {  	s9 =	sadd.s32 $0xFFFFFEF7, lr;
	s5 =	simm.s32 $0xFFFFFFFF;
	p2 =	slt.u32 s8, $0xFFFFF086  }
0x1c: {  	p1 =	slt.u32 s9, $0xF7A;
	s5 =	simm.s32 @!p2 $0x0  }
0x1d: {  	s5 =	simm.s32 @p1 $0x1;
	p0 =	seq.s32 s7, s2  }
0x1e: {  	s7 =	smul.u32 @!p0 $0xF7A, s2;
	p2 =	seq.s32 @!p0 s5, $0x0  }
0x1f: {  	s9 =	smul.u32 $0xF7A, s1;
	s8 =	simm.s32 @!p0 $0x1BF5;
	p2 =	por !p2, p0  }
0x20: {  	[sflag:s8] =	ssyncset.s32 @!p0 $0xFFFFF086;
	s6 =	sadd.s32 @!p0 s3, s7;
	s7 =	simm.s32 @!p0 $0x108  }
0x21: {  	s3 =	sadd.s32 s3, s9;
	s6 =	sadd.s32 @!p0 $0x88, s6;
	s7 =	simm.s32 @p2 $0x1082  }
0x22: {  	[simem:s7], [sflag:s8] =	dma.local @!p0 [hbm:s6], $0xF7A  }
0x23: {  	s9 =	sor.u32 $0xD0000000, s2;
	s6 =	simm.s32 $0x108;
	_ =	swait.ge @!p0 [sflag:s8], $0x0  }
0x24: {  	s3 =	sadd.s32 $0x88, s3;
	s6 =	simm.s32 @!p1 $0x1082;
	[sflag:s4] =	ssyncset.s32 $0xFFFFF086  }
0x25: {  	[simem:s6], [sflag:s4] =	dma.local [hbm:s3], $0xF7A  }
0x26: {  	[smem:$0x3F9D] =	sst s1;
	(tag) =	ssettag s2;
	_ =	strace s9  }
0x27: {  	s1 =	sld [smem:$0x3FAD]  }
0x28: {  	s2 =	sld [smem:$0x3FAE]  }
0x29: {  	s4 =	sld [smem:$0x3FB0]  }
0x2a: {  	p0 =	seq.s32 s5, $0x0;
	s5 =	sld [smem:$0x3FB1]  }
0x2b: {  	s6 =	sld [smem:$0x3FB2]  }
0x2c: {  	s7 =	sld [smem:$0x3FB3]  }
0x2d: {  	s3 =	simm.s32 $0x108;
	s8 =	sld [smem:$0x3FB4]  }
0x2e: {  	s3 =	simm.s32 @!p0 $0x1082;
	s9 =	sld [smem:$0x3FB5]  }
0x2f: {  	lr =	sadd.s32 s0, s3;
	s0 =	sld [smem:$0x3FAC]  }
0x30: {  	s3 =	sld [smem:$0x3FAF]  }
0x31: {  	[smem:$0x3FB8] =	sst s10  }
0x32: {  	s10 =	sld [smem:$0x3FB6];
	_ =	sdelay $0x3  }
0x33: {  	p0 =	seq.s32 s10, $0x1;
	s10 =	sld [smem:$0x3FB8];
	_ =	sdelay $0x3  }
0x34: {  	[smem:$0x3FB8] =	sst s10  }
0x35: {  	s10 =	sld [smem:$0x3FB7];
	_ =	sdelay $0x3  }
0x36: {  	p1 =	seq.s32 s10, $0x1;
	s10 =	sld [smem:$0x3FB8];
	_ =	sdelay $0x3  }
0x37: {  	[smem:$0x3FB8] =	sst s10  }
0x38: {  	s10 =	sld [smem:$0x3FB9]  }
0x39: {  	_ = 	snop;
	(pc) =	sbr.ind lr, $3  }
0x3a: {  	_ = 	snop  }
0x3b: {  	_ = 	snop  }
0x3c: {  	p2 =	seq.s32 s10, $0x1;
	s10 =	sld [smem:$0x3FB8]  }
0x3d: {  	_ =	shalt  }
0x3e: {  	_ =	shalt  }
0x3f: {  	_ =	shalt  }
0x40: {  	_ =	shalt  }
0x41: {  	_ =	shalt  }
0x42: {  	_ =	shalt  }
0x43: {  	_ =	shalt  }
0x44: {  	_ =	shalt  }
0x45: {  	_ =	shalt  }
0x46: {  	_ =	shalt  }
0x47: {  	_ =	shalt  }
0x48: {  	_ =	shalt  }
0x49: {  	_ =	shalt  }
0x4a: {  	_ =	shalt  }
0x4b: {  	_ =	shalt  }
0x4c: {  	_ =	shalt  }
0x4d: {  	_ =	shalt  }
0x4e: {  	_ =	shalt  }
0x4f: {  	_ =	shalt  }
0x50: {  	_ =	shalt  }
0x51: {  	_ =	shalt  }
0x52: {  	_ =	shalt  }
0x53: {  	_ =	shalt  }
0x54: {  	_ =	shalt  }
0x55: {  	_ =	shalt  }
0x56: {  	_ =	shalt  }
0x57: {  	_ =	shalt  }
0x58: {  	_ =	shalt  }
0x59: {  	_ =	shalt  }
0x5a: {  	_ =	shalt  }
0x5b: {  	_ =	shalt  }
0x5c: {  	_ =	shalt  }
0x5d: {  	_ =	shalt  }
0x5e: {  	_ =	shalt  }
0x5f: {  	_ =	shalt  }
0x60: {  	_ =	shalt  }
0x61: {  	_ =	shalt  }
0x62: {  	_ =	shalt  }
0x63: {  	_ =	shalt  }
0x64: {  	_ =	shalt  }
0x65: {  	_ =	shalt  }
0x66: {  	_ =	shalt  }
0x67: {  	_ =	shalt  }
0x68: {  	_ =	shalt  }
0x69: {  	_ =	shalt  }
0x6a: {  	_ =	shalt  }
0x6b: {  	_ =	shalt  }
0x6c: {  	_ =	shalt  }
0x6d: {  	_ =	shalt  }
0x6e: {  	_ =	shalt  }
0x6f: {  	_ =	shalt  }
0x70: {  	_ =	shalt  }
0x71: {  	_ =	shalt  }
0x72: {  	_ =	shalt  }
0x73: {  	_ =	shalt  }
0x74: {  	_ =	shalt  }
0x75: {  	_ =	shalt  }
0x76: {  	_ =	shalt  }
0x77: {  	_ =	shalt  }
0x78: {  	_ =	shalt  }
0x79: {  	_ =	shalt  }
0x7a: {  	_ =	shalt  }
0x7b: {  	_ =	shalt  }
0x7c: {  	_ =	shalt  }
0x7d: {  	_ =	shalt  }
0x7e: {  	_ =	shalt  }
0x7f: {  	_ =	shalt  }
0x80: {  	_ =	shalt  }
0x81: {  	_ =	shalt  }
0x82: {  	_ =	shalt  }
0x83: {  	_ =	shalt  }
0x84: {  	_ =	shalt  }
0x85: {  	_ =	shalt  }
0x86: {  	_ =	shalt  }
0x87: {  	_ =	shalt  }
.Lfunc_end0:
.L_simem_size_0:
called_computation.1_lowered:
.L_overlay_start_0:
0x88: {  	s2 =	sld [smem:$0x3FD9]  }
0x89: {  	s3 =	sld [smem:$0x3FFE];
	_ =	sdelay $0x1  }
0x8a: {  	s1 =	srdreg.scid  }
0x8b: {  	s0 =	sand.u32 $0x1, s1  }
0x8c: {  	s17 =	sshll.u32 s0, $0xA;
	s2 =	sadd.s32 s3, s2  }
0x8d: {  	s2 =	sadd.s32 s2, s17  }
0x8e: {  	[smem:$0x3FC4] =	sst s2  }
0x8f: {  	_ = 	snop  }
0x90: {  	s2 =	sld [smem:$0x3FD0];
	(tm) =	ssettm $0x1  }
0x91: {  	s18 =	sld [smem:$0x3FFB];
	_ =	sdelay $0x3  }
0x92: {  	_ =	strace s18  }
0x93: {  	s3 =	sld [smem:$0x3FFC];
	_ =	sdelay $0x3  }
0x94: {  	_ =	strace s3  }
0x95: {  	s3 =	sld [smem:$0x3FFD];
	_ =	sdelay $0x3  }
0x96: {  	_ =	strace s3  }
0x97: {  	_ =	strace $0x8FFFFFFF  }
0x98: {  	s19 =	sld [smem:$0x3FDB];
	_ =	sdelay $0x1  }
0x99: {  	s4 =	simm.s32 $_scs_section_size  }
0x9a: {  	s5 =	simm.s32 $_size__tile_overlayer_lowered;
	s6 =	simm.s32 $_tile_overlayer_lowered  }
0x9b: {  	s22 =	simm.s32 $0x1BFF;
	s21 =	sshll.u32 s6, $0x1;
	s3 =	sadd.s32 s4, s19  }
0x9c: {  	s7 =	simm.s32 $0x0;
	s20 =	sshll.u32 s5, $0x1;
	s5 =	sadd.s32 s21, s3  }
0x9d: {  	[timem:s7], [sflag:s22] =	dma.local [hbm:s5], s20  }
0x9e: {  	_ =	swait.ge [sflag:s22], s20  }
0x9f: {  	s4 =	ssub.s32 $0x0, s20;
	[sflag:s22] =	ssyncset.done $0x0  }
0xa0: {  	[sflag:s22] =	ssyncadd.s32 s4;
	_ =	sdelay $0x1  }
0xa1: {  	s23 =	simm.s32 $0x1B8B  }
0xa2: {  	_ =	swait.ge [sflag:s23], $0x1  }
0xa3: {  	[sflag:s23] =	ssyncset.done $0x0  }
0xa4: {  	s25 =	simm.s32 $0x1B8E;
	s24 =	sld [smem:$0x3FFE];
	[sflag:s23] =	ssyncadd.s32 $0xFFFFFFFF  }
0xa5: {  	s26 =	simm.s32 $execute0_lowered;
	[smem:$0x3FD2] =	sst s25  }
0xa6: {  	s5 =	sshll.u32 s26, $0x1;
	_ =	strace $0x80000049;
	[dreg:$0x1] =	wrdreg $0xFFFFFFFF  }
0xa7: {  	s28 =	simm.s32 $_size_execute0_lowered;
	s3 =	sadd.s32 s3, s5;
	[dreg:$0x0] =	wrdreg $0x0  }
0xa8: {  	s5 =	sshll.u32 s28, $0x1;
	[dreg:$0x2] =	wrdreg s3  }
0xa9: {  	[dreg:$0x3] =	wrdreg s5  }
0xaa: {  	[dreg:$0x4] =	wrdreg $0xC0  }
0xab: {  	_ =	task [dreg:s7], $0x5FFFF  }
0xac: {  	[dreg:$0x1] =	wrdreg $0xFFFFFFFF  }
0xad: {  	[dreg:$0x0] =	wrdreg $0x60  }
0xae: {  	[dreg:$0x2] =	wrdreg s24  }
0xaf: {  	[dreg:$0x3] =	wrdreg s2  }
0xb0: {  	[dreg:$0x4] =	wrdreg $0x9  }
0xb1: {  	_ =	task.clear_ibuf [dreg:s7], $0x5FFFF;
	_ =	strace $0x90000049  }
0xb2: {  	s29 =	simm.s32 $0x9;
	_ =	strace $0x8000004B  }
0xb3: {  	_ =	swait.ge [sflag:s29], $0x1  }
0xb4: {  	[sflag:s29] =	ssyncadd.s32 $0xFFFFFFFF  }
0xb5: {  	_ =	strace $0x9000004B  }
0xb6: {  	_ =	sfence  }
0xb7: {  	s30 =	sld [smem:$0x0];
	_ =	sdelay $0x2  }
0xb8: {  	s31 =	sshll.u32 s1, $0xD;
	s1 =	sshrl.u32 s1, $0x2  }
0xb9: {  	s3 =	sand.u32 $0x4000, s31;
	s1 =	sadd.s32 s1, s30  }
0xba: {  	s0 =	sor.u32 s3, s0;
	s1 =	sshll.u32 s1, $0x11  }
0xbb: {  	s0 =	sor.u32 s1, s0  }
0xbc: {  	s0 =	sadd.s32 $0x8F2B, s0  }
0xbd: {  	[sflag:s0] =	ssyncadd.remote.s32 $0x1  }
0xbe: {  	_ =	sfence.sel $0xFFFF  }
0xbf: {  	[dreg:$0x0] =	wrdreg $0xFFFFFFFF;
	(pc) =	sbr.abs _section_cstart, $3  }
0xc0: {  	[dreg:$0x1] =	wrdreg $0xFFFFFFFF  }
0xc1: {  	_ =	task.clear_ibuf [dreg:s7], $0x2FFFF;
	_ =	strace $0x9FFFFFFF  }
0xc2: {  	(tm) =	ssettm $0x7FFFFFFF  }
0xc3: {  	_ =	shalt  }
tec
execute0_lowered:
.L_overlay_start_1:
0x0: {  	(tag) =	ssettag $0x1  }
0x1: {  	s0 =	rddreg [dreg:$0x0]  }
0x2: {  	s5 =	rddreg [dreg:$0x1];
	s3 =	srdreg.scid  }
0x3: {  	s2 =	simm.s32 $0x0;
	s1 =	stileid.u32;
	s26 =	simm.s32 $0x880  }
0x4: {  	s10 =	simm.s32 $0x1880;
	s11 =	simm.s32 $0x2080;
	s12 =	simm.s32 $0x2880  }
0x5: {  	s13 =	simm.s32 $0x3080;
	s14 =	simm.s32 $0x3880;
	s15 =	simm.s32 $0x4080  }
0x6: {  	s16 =	simm.s32 $0x4880;
	s17 =	simm.s32 $0x5080;
	s18 =	simm.s32 $0x5880  }
0x7: {  	s19 =	simm.s32 $0x6080;
	s20 =	simm.s32 $0x6880;
	s21 =	simm.s32 $0x7080  }
0x8: {  	s22 =	simm.s32 $0x7880;
	s28 =	simm.s32 $0xA080;
	s29 =	simm.s32 $0xA880  }
0x9: {  	s30 =	simm.s32 $0xB080;
	s31 =	simm.s32 $0xB880;
	s3 =	sand.u32 $0x1, s3  }
0xa: {  	[smem:$0x7FF] =	sst s2;
	s4 =	sshll.u32 s1, $0x4;
	s6 =	sshll.u32 s3, $0x3  }
0xb: {  	_ =	strace $0x8000004A;
	s23 =	ssub.s32 $0x2, s3;
	s3 =	sadd.s32 $0x1600, s0  }
0xc: {  	[dreg:$0x5] =	wrdreg s26;
	s26 =	simm.s32 $0x9880;
	s4 =	sor.u32 s6, s4  }
0xd: {  	s8 =	sshrl.u32 s23, $0x1;
	s7 =	sadd.s32 s4, s0;
	s9 =	smul.u32 $0x300, s4  }
0xe: {  	s6 =	ssub.s32 s23, s8;
	s4 =	sadd.s32 $0x1700, s0;
	s8 =	simm.s32 $0x80  }
0xf: {  	s23 =	simm.s32 $0x8080;
	s24 =	sadd.s32 $0x1400, s7;
	s6 =	smax.u32 s6, $0x1  }
0x10: {  	v2 =	vlaneseq.u32;
	s7 =	simm.s32 $0x2;
	[dreg:$0x3] =	wrdreg s24;
	s25 =	sadd.s32 s5, s9  }
0x11: {  	vm0 =	vmmov $0xffff;
	v1 =	vshrl.u32 v2, $0x3;
	s5 =	sadd.s32 $0x1800, s0;
	s9 =	simm.s32 $0x1080;
	s24 =	simm.s32 $0x8880  }
0x12: {  	v0 =	vand.u32 $0x7, v2;
	v2 =	vor.u32 $0x8, v2;
	v1 =	vmul.u32 $0x8, v1;
	s0 =	simm.s32 $0x1;
	[dreg:$0x4] =	wrdreg s25;
	s25 =	simm.s32 $0x9080  }
.LBB2_1:
0x13: {  	s1 =	rddreg [dreg:$0x3]  }
0x14: {  	[tilespmem:s2], [sflag:$0x2] =	stream.linear.gather [hbm4b:s1+s2], $0x40, $0x38;
	[tilespmem:$0xC080] =	vst v63  }
0x15: {  	_ =	swait.ge [sflag:s7], $0x40  }
0x16: {  	[sflag:s7] =	ssyncset.done $0x0  }
0x17: {  	[sflag:s7] =	ssyncadd.s32 $0xFFFFFFC0  }
0x18: {  	v3 =	vld [tilespmem:$0x0];
	_ =	sdelay $0x4  }
0x19: {  	v4 =	vshrl.u32 v3, $0x3  }
0x1a: {  	v4 =	vmul.u32 $0x30, v4  }
0x1b: {  	v3 =	vand.u32 $0x7, v3  }
0x1c: {  	v3 =	vor.u32 v3, v4  }
0x1d: {  	v4 =	vperm.xlane v3, v0;
	_ =	sdelay $0x1  }
0x1e: {  	v4 =	vadd.s32 v1, v4;
	_ =	sdelay $0x3  }
0x1f: {  	v3 =	vperm.xlane v3, v2  }
0x20: {  	[tilespmem:s8], [sflag:$0x1] =	stream.indirect_vreg.gather [hbm4b:s3+s2], $0x80, v4, vm0, $0xb8;
	[tilespmem:$0xC080] =	vst v63  }
0x21: {  	s1 =	rddreg [dreg:$0x5];
	v3 =	vadd.s32 v1, v3  }
0x22: {  	[tilespmem:s1], [sflag:$0x1] =	stream.indirect_vreg.gather [hbm4b:s4+s2], $0x80, v4, vm0, $0xb8;
	[tilespmem:$0xC080] =	vst v63  }
0x23: {  	_ = 	snop  }
0x24: {  	[tilespmem:s9], [sflag:$0x1] =	stream.indirect_vreg.gather [hbm4b:s5+s2], $0x80, v4, vm0, $0xb8;
	[tilespmem:$0xC080] =	vst v63  }
0x25: {  	_ = 	snop  }
0x26: {  	[tilespmem:s10], [sflag:$0x1] =	stream.indirect_vreg.gather [hbm4b:s3+s2], $0x80, v3, vm0, $0xb8;
	[tilespmem:$0xC080] =	vst v63  }
0x27: {  	_ = 	snop  }
0x28: {  	[tilespmem:s11], [sflag:$0x1] =	stream.indirect_vreg.gather [hbm4b:s4+s2], $0x80, v3, vm0, $0xb8;
	[tilespmem:$0xC080] =	vst v63  }
0x29: {  	_ = 	snop  }
0x2a: {  	[tilespmem:s12], [sflag:$0x1] =	stream.indirect_vreg.gather [hbm4b:s5+s2], $0x80, v3, vm0, $0xb8;
	[tilespmem:$0xC080] =	vst v63  }
0x2b: {  	v3 =	vld [tilespmem:$0x10];
	_ =	sdelay $0x4  }
0x2c: {  	v61 =	vshrl.u32 v3, $0x3  }
0x2d: {  	v4 =	vmul.u32 $0x30, v61  }
0x2e: {  	v3 =	vand.u32 $0x7, v3  }
0x2f: {  	v3 =	vor.u32 v3, v4  }
0x30: {  	v4 =	vperm.xlane v3, v0;
	_ =	sdelay $0x1  }
0x31: {  	v4 =	vadd.s32 v1, v4;
	_ =	sdelay $0x3  }
0x32: {  	v3 =	vperm.xlane v3, v2  }
0x33: {  	[tilespmem:s13], [sflag:$0x1] =	stream.indirect_vreg.gather [hbm4b:s3+s2], $0x80, v4, vm0, $0xb8;
	[tilespmem:$0xC080] =	vst v63  }
0x34: {  	v3 =	vadd.s32 v1, v3  }
0x35: {  	[tilespmem:s14], [sflag:$0x1] =	stream.indirect_vreg.gather [hbm4b:s4+s2], $0x80, v4, vm0, $0xb8;
	[tilespmem:$0xC080] =	vst v63  }
0x36: {  	_ = 	snop  }
0x37: {  	[tilespmem:s15], [sflag:$0x1] =	stream.indirect_vreg.gather [hbm4b:s5+s2], $0x80, v4, vm0, $0xb8;
	[tilespmem:$0xC080] =	vst v63  }
0x38: {  	_ = 	snop  }
0x39: {  	[tilespmem:s16], [sflag:$0x1] =	stream.indirect_vreg.gather [hbm4b:s3+s2], $0x80, v3, vm0, $0xb8;
	[tilespmem:$0xC080] =	vst v63  }
0x3a: {  	_ = 	snop  }
0x3b: {  	[tilespmem:s17], [sflag:$0x1] =	stream.indirect_vreg.gather [hbm4b:s4+s2], $0x80, v3, vm0, $0xb8;
	[tilespmem:$0xC080] =	vst v63  }
0x3c: {  	_ = 	snop  }
0x3d: {  	[tilespmem:s18], [sflag:$0x1] =	stream.indirect_vreg.gather [hbm4b:s5+s2], $0x80, v3, vm0, $0xb8;
	[tilespmem:$0xC080] =	vst v63  }
0x3e: {  	v3 =	vld [tilespmem:$0x20];
	_ =	sdelay $0x4  }
0x3f: {  	v62 =	vshrl.u32 v3, $0x3  }
0x40: {  	v4 =	vmul.u32 $0x30, v62  }
0x41: {  	v3 =	vand.u32 $0x7, v3  }
0x42: {  	v3 =	vor.u32 v3, v4  }
0x43: {  	v4 =	vperm.xlane v3, v0;
	_ =	sdelay $0x1  }
0x44: {  	v4 =	vadd.s32 v1, v4;
	_ =	sdelay $0x3  }
0x45: {  	v3 =	vperm.xlane v3, v2  }
0x46: {  	[tilespmem:s19], [sflag:$0x1] =	stream.indirect_vreg.gather [hbm4b:s3+s2], $0x80, v4, vm0, $0xb8;
	[tilespmem:$0xC080] =	vst v63  }
0x47: {  	v3 =	vadd.s32 v1, v3  }
0x48: {  	[tilespmem:s20], [sflag:$0x1] =	stream.indirect_vreg.gather [hbm4b:s4+s2], $0x80, v4, vm0, $0xb8;
	[tilespmem:$0xC080] =	vst v63  }
0x49: {  	_ = 	snop  }
0x4a: {  	[tilespmem:s21], [sflag:$0x1] =	stream.indirect_vreg.gather [hbm4b:s5+s2], $0x80, v4, vm0, $0xb8;
	[tilespmem:$0xC080] =	vst v63  }
0x4b: {  	_ = 	snop  }
0x4c: {  	[tilespmem:s22], [sflag:$0x1] =	stream.indirect_vreg.gather [hbm4b:s3+s2], $0x80, v3, vm0, $0xb8;
	[tilespmem:$0xC080] =	vst v63  }
0x4d: {  	_ = 	snop  }
0x4e: {  	[tilespmem:s23], [sflag:$0x1] =	stream.indirect_vreg.gather [hbm4b:s4+s2], $0x80, v3, vm0, $0xb8;
	[tilespmem:$0xC080] =	vst v63  }
0x4f: {  	_ = 	snop  }
0x50: {  	[tilespmem:s24], [sflag:$0x1] =	stream.indirect_vreg.gather [hbm4b:s5+s2], $0x80, v3, vm0, $0xb8;
	[tilespmem:$0xC080] =	vst v63  }
0x51: {  	v3 =	vld [tilespmem:$0x30];
	_ =	sdelay $0x4  }
0x52: {  	v63 =	vshrl.u32 v3, $0x3  }
0x53: {  	v4 =	vmul.u32 $0x30, v63  }
0x54: {  	v3 =	vand.u32 $0x7, v3  }
0x55: {  	v3 =	vor.u32 v3, v4  }
0x56: {  	v4 =	vperm.xlane v3, v0;
	_ =	sdelay $0x1  }
0x57: {  	v4 =	vadd.s32 v1, v4;
	_ =	sdelay $0x3  }
0x58: {  	v3 =	vperm.xlane v3, v2  }
0x59: {  	[tilespmem:s25], [sflag:$0x1] =	stream.indirect_vreg.gather [hbm4b:s3+s2], $0x80, v4, vm0, $0xb8;
	[tilespmem:$0xC080] =	vst v63  }
0x5a: {  	v3 =	vadd.s32 v1, v3  }
0x5b: {  	[tilespmem:s26], [sflag:$0x1] =	stream.indirect_vreg.gather [hbm4b:s4+s2], $0x80, v4, vm0, $0xb8;
	[tilespmem:$0xC080] =	vst v63  }
0x5c: {  	_ = 	snop  }
0x5d: {  	[tilespmem:s28], [sflag:$0x1] =	stream.indirect_vreg.gather [hbm4b:s5+s2], $0x80, v4, vm0, $0xb8;
	[tilespmem:$0xC080] =	vst v63  }
0x5e: {  	_ = 	snop  }
0x5f: {  	[tilespmem:s29], [sflag:$0x1] =	stream.indirect_vreg.gather [hbm4b:s3+s2], $0x80, v3, vm0, $0xb8;
	[tilespmem:$0xC080] =	vst v63  }
0x60: {  	_ = 	snop  }
0x61: {  	[tilespmem:s30], [sflag:$0x1] =	stream.indirect_vreg.gather [hbm4b:s4+s2], $0x80, v3, vm0, $0xb8;
	[tilespmem:$0xC080] =	vst v63  }
0x62: {  	_ = 	snop  }
0x63: {  	[tilespmem:s31], [sflag:$0x1] =	stream.indirect_vreg.gather [hbm4b:s5+s2], $0x80, v3, vm0, $0xb8;
	[tilespmem:$0xC080] =	vst v63  }
0x64: {  	_ =	swait.ge [sflag:s0], $0xC000  }
0x65: {  	p0 =	sne.s32 s6, $0x1;
	[sflag:s0] =	ssyncset.done $0x0  }
.Ltmp0:
0x66: {  	s1 =	rddreg [dreg:$0x4];
	[sflag:s0] =	ssyncadd.s32 $0xFFFF4000;
	(pc) =	sbr.rel @p0 .LBB2_1-.Ltmp0, $4  }
0x67: {  	[hbm4b:s1+s2] =	stream.linear.scatter [tilespmem:s8], [sflag:$0x2], $0xC000, $0x38;
	[tilespmem:$0xC080] =	vst v63  }
0x68: {  	_ =	swait.ge [sflag:s7], $0xC000  }
0x69: {  	[sflag:s7] =	ssyncset.done $0x0  }
0x6a: {  	s6 =	sadd.s32 $0xFFFFFFFF, s6;
	[sflag:s7] =	ssyncadd.s32 $0xFFFF4000  }
0x6b: {  	_ =	sfence.sel $0x180000  }
0x6c: {  	[bflag:$0x0] =	sbarrier.arrive $0xFFFF  }
0x6d: {  	_ =	strace $0x9000004A  }
0x6e: {  	s0 =	stileid.u32;
	[bflag:$0x2] =	sbarrier.arrive $0xFFFF  }
0x6f: {  	p0 =	sne.s32 s0, $0x0;
	s0 =	rddreg [dreg:$0x2]  }
0x70: {  	s0 =	sadd.s32 @!p0 $0x100000, s0  }
0x71: {  	[sflag:s0] =	ssyncadd.tile.s32 @!p0 $0x1;
	_ =	shalt  }
.Lfunc_end2:
_tile_overlayer_lowered:
.L_overlay_start_2:
0x72: {  	(tag) =	ssettag $0x2  }
0x73: {  	s0 =	rddreg [dreg:$0x0];
	s2 =	stileid.u32  }
0x74: {  	s1 =	rddreg [dreg:$0x1];
	p0 =	sne.s32 s2, $0x0  }
0x75: {  	s3 =	rddreg [dreg:$0x2];
	[bflag:$0x3] =	sbarrier.arrive $0xFFFF;
	s2 =	simm.s32 @!p0 $0x1C02  }
0x76: {  	[timem:s3], [sflag:s2] =	dma.local @!p0 [hbm:s0], s1  }
0x77: {  	s0 =	simm.s32 @!p0 $0x2  }
0x78: {  	_ =	swait.ge @!p0 [sflag:s0], s1  }
0x79: {  	s1 =	ssub.s32 @!p0 $0x0, s1;
	[sflag:s0] =	ssyncset.done @!p0 $0x0  }
0x7a: {  	[sflag:s0] =	ssyncadd.s32 @!p0 s1  }
0x7b: {  	[bflag:$0x3] =	sbarrier.arrive $0xFFFF  }
0x7c: {  	_ =	shalt  }

</sc_bundles>
